<compile_context>
chip_gen: v7x
topology: tpu7x:2x2x1
jax: 0.10.2.dev20260603
libtpu: 0.0.44.dev20260713+nightly
codegen_flags: <defaults>
</compile_context>

<pallas_src>
import functools

import jax
import jax.numpy as jnp
from jax import lax
from jax.experimental import pallas as pl
from jax.experimental.pallas import tpu as pltpu
from jax.experimental.pallas import tpu_sc as plsc

_V = 8192
_N = 8192
_NC = 2
_NS = 16
_NW = _NC * _NS
_RPW = _N // _NW
_C = 4
_NCH = _RPW // _C

_mesh = plsc.VectorSubcoreMesh(core_axis_name="c", subcore_axis_name="s")


def _worker_id():
    return lax.axis_index("s") * _NC + lax.axis_index("c")


@functools.partial(
    pl.kernel,
    mesh=_mesh,
    out_type=[
        jax.ShapeDtypeStruct((_N, _V), jnp.float32),
        jax.ShapeDtypeStruct((_NW, 16), jnp.float32),
    ],
    scratch_types=[
        pltpu.VMEM((_NCH, _C), jnp.int32),
        pltpu.VMEM((_RPW + 16,), jnp.int32),
        pltpu.VMEM((_C, _V), jnp.float32),
        pltpu.VMEM((_C, _V), jnp.float32),
        pltpu.VMEM((16,), jnp.float32),
        pltpu.SemaphoreType.DMA,
        pltpu.SemaphoreType.DMA,
        pltpu.SemaphoreType.DMA,
        pltpu.SemaphoreType.DMA,
    ],
)
def _gather_rows(
    table_hbm, idx_hbm, tgt_hbm, out_hbm, xt_hbm,
    idx_v, tgt_v, buf0, buf1, part_v, g0, g1, s0, s1,
):
    wid = _worker_id()
    base = wid * _RPW
    pltpu.sync_copy(idx_hbm.at[wid], idx_v)
    pltpu.sync_copy(tgt_hbm.at[pl.ds(base, _RPW)], tgt_v.at[pl.ds(0, _RPW)])

    bufs = (buf0, buf1)
    gsems = (g0, g1)
    ssems = (s0, s1)

    def g_src(g):
        return table_hbm.at[idx_v.at[g]]

    def s_dst(g):
        return out_hbm.at[pl.ds(base + g * _C, _C)]

    def start_gather(g, b):
        pltpu.make_async_copy(g_src(g), bufs[b], gsems[b]).start()

    def wait_gather(g, b):
        pltpu.make_async_copy(g_src(g), bufs[b], gsems[b]).wait()

    def start_scatter(g, b):
        pltpu.make_async_copy(bufs[b], s_dst(g), ssems[b]).start()

    def wait_scatter(g, b):
        pltpu.make_async_copy(bufs[b], s_dst(g), ssems[b]).wait()

    lanes = lax.iota(jnp.int32, 16)

    def extract_xt(g, b, acc, g_parity):
        for r in range(_C):
            s = g * _C + r
            off = pl.multiple_of((s >> 3) * 8, 8)
            v = tgt_v[pl.ds(off, 16)]
            t = v[(_C * g_parity + r) & 7]
            t_hi = pl.multiple_of(t & ~15, 16)
            vec = bufs[b][r, pl.ds(t_hi, 16)]
            acc = acc + jnp.where(lanes == (t & 15), vec, 0.0)
        return acc

    start_gather(0, 0)
    wait_gather(0, 0)
    start_scatter(0, 0)
    start_gather(1, 1)
    acc0 = extract_xt(0, 0, jnp.zeros((16,), jnp.float32), 0)

    def body(j, acc):
        ga = 2 * j + 1
        wait_gather(ga, 1)
        start_scatter(ga, 1)
        wait_scatter(ga - 1, 0)
        start_gather(ga + 1, 0)
        acc = extract_xt(ga, 1, acc, 1)
        gb = 2 * j + 2
        wait_gather(gb, 0)
        start_scatter(gb, 0)
        wait_scatter(gb - 1, 1)
        start_gather(gb + 1, 1)
        acc = extract_xt(gb, 0, acc, 0)
        return acc

    acc = lax.fori_loop(0, (_NCH - 2) // 2, body, acc0)

    gl = _NCH - 1
    wait_gather(gl, 1)
    start_scatter(gl, 1)
    wait_scatter(gl - 1, 0)
    acc = extract_xt(gl, 1, acc, 1)
    wait_scatter(gl, 1)

    part_v[...] = acc
    pltpu.sync_copy(part_v, xt_hbm.at[wid])


_BR = 256


def _lse_body(tbl_ref, lse_ref):
    blk = tbl_ref[...]
    m = jnp.max(blk, axis=1)
    s = jnp.sum(jnp.exp(blk - m[:, None]), axis=1)
    lse_ref[0, 0, :] = m + jnp.log(s)


def _table_lse(table):
    lse3 = pl.pallas_call(
        _lse_body,
        grid=(_V // _BR,),
        in_specs=[pl.BlockSpec((_BR, _V), lambda i: (i, 0))],
        out_specs=pl.BlockSpec((1, 1, _BR), lambda i: (i, 0, 0)),
        out_shape=jax.ShapeDtypeStruct((_V // _BR, 1, _BR), jnp.float32),
    )(table)
    return lse3.reshape(_V)


@functools.partial(
    pl.kernel,
    mesh=_mesh,
    out_type=jax.ShapeDtypeStruct((_NW, 16), jnp.float32),
    scratch_types=[
        pltpu.VMEM((_RPW,), jnp.int32),
        pltpu.VMEM((_RPW,), jnp.float32),
        pltpu.VMEM((16,), jnp.float32),
        pltpu.SemaphoreType.DMA,
    ],
)
def _lse_partials(idx_hbm, lse_hbm, out_hbm, idx_v, lse_g, part_v, sem):
    wid = _worker_id()
    base = wid * _RPW
    pltpu.sync_copy(idx_hbm.at[pl.ds(base, _RPW)], idx_v)

    for h in range(_RPW // 128):
        sl = pl.ds(h * 128, 128)
        pltpu.make_async_copy(
            lse_hbm.at[idx_v.at[sl]], lse_g.at[sl], sem
        ).start()
        pltpu.make_async_copy(
            lse_hbm.at[idx_v.at[sl]], lse_g.at[sl], sem
        ).wait()

    acc = jnp.zeros((16,), jnp.float32)
    for k in range(_RPW // 16):
        acc = acc + lse_g[pl.ds(k * 16, 16)]

    part_v[...] = acc
    pltpu.sync_copy(part_v, out_hbm.at[wid])


def kernel(inputs, targets, table):
    idx = inputs.reshape(_NW, _NCH, _C)

    logits, xt_parts = _gather_rows(table, idx, targets.reshape(-1))
    lse = _table_lse(table)
    lse_parts = _lse_partials(inputs.reshape(-1), lse)
    loss = (jnp.sum(lse_parts) - jnp.sum(xt_parts)) / _N
    return logits, loss

# --- scband reference (transcript-rebuilt; emitter-appended) ---
"""Pipeline reference for scband-bigram-language-model-67319317397659 (READ-ONLY COPY).

The authoritative reference and input builder live on the scoring server;
editing this copy changes nothing except your own understanding.
"""

import jax, jax.numpy as jnp
import numpy as np

VOCAB = 8192
B, T = 4, 2048

def setup_inputs(seed: int = 0) -> dict:
    key = jax.random.key(seed)
    k1, k2, k3 = jax.random.split(key, 3)
    inputs = jax.random.randint(k1, (B, T), 0, VOCAB, dtype=jnp.int32)
    targets = jax.random.randint(k2, (B, T), 0, VOCAB, dtype=jnp.int32)
    # nn.Embedding(vocab, vocab) default init: N(0, 1)
    table = jax.random.normal(k3, (VOCAB, VOCAB), dtype=jnp.float32)
    return {"inputs": inputs, "targets": targets, "table": table}

def reference(inputs, targets, table):
    # logits = token_embedding_table(inputs) -> (B, T, C) via gather
    logits = jnp.take(table, inputs, axis=0)
    b, t, c = logits.shape
    # rearrange 'b t c -> (b t) c' and 'b t -> (b t)'
    logits_flat = logits.reshape(b * t, c)
    targets_flat = targets.reshape(b * t)
    # F.cross_entropy (mean reduction)
    logp = jax.nn.log_softmax(logits_flat, axis=-1)
    nll = -jnp.take_along_axis(logp, targets_flat[:, None], axis=1)[:, 0]
    loss = jnp.mean(nll)
    return logits_flat, loss

if __name__ == "__main__":
    import jax
    _d = setup_inputs()
    print(jax.jit(kernel)(*tuple(_d.values())))

</pallas_src>

<mosaic_0001>
#map = affine_map<(d0, d1) -> (0, 0)>
#map1 = affine_map<(d0, d1) -> (0, 0, 0)>
#map2 = affine_map<(d0, d1) -> (0)>
module attributes {stable_mosaic.version = 14 : i64} {
  func.func @_gather_rows(%arg0: i32, %arg1: i32, %arg2: memref<8192x8192xf32, #tpu.memory_space<hbm>>, %arg3: memref<32x64x4xi32, #tpu.memory_space<hbm>>, %arg4: memref<8192xi32, #tpu.memory_space<hbm>>, %arg5: memref<8192x8192xf32, #tpu.memory_space<hbm>>, %arg6: memref<32x16xf32, #tpu.memory_space<hbm>>, %arg7: memref<64x4xi32, #tpu.memory_space<vmem>>, %arg8: memref<272xi32, #tpu.memory_space<vmem>>, %arg9: memref<4x8192xf32, #tpu.memory_space<vmem>>, %arg10: memref<4x8192xf32, #tpu.memory_space<vmem>>, %arg11: memref<16xf32, #tpu.memory_space<vmem>>, %arg12: memref<!tpu.dma_semaphore, #tpu.memory_space<semaphore_mem>>, %arg13: memref<!tpu.dma_semaphore, #tpu.memory_space<semaphore_mem>>, %arg14: memref<!tpu.dma_semaphore, #tpu.memory_space<semaphore_mem>>, %arg15: memref<!tpu.dma_semaphore, #tpu.memory_space<semaphore_mem>>) attributes {dimension_semantics = [#tpu.dimension_semantics<core_parallel>, #tpu.dimension_semantics<subcore_parallel>], iteration_bounds = array<i64: 2, 16>, scalar_prefetch = 0 : i64, scratch_operands = 9 : i64, tpu.core_type = #tpu.core_type<sc_vector_subcore>, window_params = [{transform_indices = #map}, {transform_indices = #map1}, {transform_indices = #map2}, {transform_indices = #map}, {transform_indices = #map}]} {
    %mul3A = arith.constant 2 : i32
    %mul3A_0 = arith.muli %arg1, %mul3A : i32
    %add3A = arith.addi %mul3A_0, %arg0 : i32
    %mul3A_1 = arith.constant 256 : i32
    %mul3A_2 = arith.muli %add3A, %mul3A_1 : i32
    "tpu.region"() ({
      %run_scoped3A = tpu.sem_alloc : memref<!tpu.dma_semaphore, #tpu.memory_space<semaphore_mem>>
      %dma_start3A_238 = arith.constant 0 : i32
      %dma_start3A_239 = arith.constant 0 : i32
      %dma_start3A_240 = tpu.memref_slice %arg3[%add3A, %dma_start3A_238, %dma_start3A_239] : memref<32x64x4xi32, #tpu.memory_space<hbm>> -> memref<1x64x4xi32, #tpu.memory_space<hbm>>
      %dma_start3A_241 = tpu.memref_squeeze %dma_start3A_240 : memref<1x64x4xi32, #tpu.memory_space<hbm>> -> memref<64x4xi32, #tpu.memory_space<hbm>>
      %dma_start3A_242 = arith.constant 0 : i32
      %dma_start3A_243 = arith.constant 0 : i32
      %dma_start3A_244 = tpu.memref_slice %arg3[%add3A, %dma_start3A_242, %dma_start3A_243] : memref<32x64x4xi32, #tpu.memory_space<hbm>> -> memref<1x64x4xi32, #tpu.memory_space<hbm>>
      %dma_start3A_245 = tpu.memref_squeeze %dma_start3A_244 : memref<1x64x4xi32, #tpu.memory_space<hbm>> -> memref<64x4xi32, #tpu.memory_space<hbm>>
      tpu.enqueue_dma source(%dma_start3A_245 : memref<64x4xi32, #tpu.memory_space<hbm>>) target(%arg7 : memref<64x4xi32, #tpu.memory_space<vmem>>) target_semaphore(%run_scoped3A : memref<!tpu.dma_semaphore, #tpu.memory_space<semaphore_mem>>)
      %dma_wait3A_246 = arith.constant 0 : i32
      %dma_wait3A_247 = arith.constant 0 : i32
      %dma_wait3A_248 = tpu.memref_slice %arg3[%add3A, %dma_wait3A_246, %dma_wait3A_247] : memref<32x64x4xi32, #tpu.memory_space<hbm>> -> memref<1x64x4xi32, #tpu.memory_space<hbm>>
      %dma_wait3A_249 = tpu.memref_squeeze %dma_wait3A_248 : memref<1x64x4xi32, #tpu.memory_space<hbm>> -> memref<64x4xi32, #tpu.memory_space<hbm>>
      %dma_wait3A_250 = arith.constant 0 : i32
      %dma_wait3A_251 = arith.constant 0 : i32
      %dma_wait3A_252 = tpu.memref_slice %arg3[%add3A, %dma_wait3A_250, %dma_wait3A_251] : memref<32x64x4xi32, #tpu.memory_space<hbm>> -> memref<1x64x4xi32, #tpu.memory_space<hbm>>
      %dma_wait3A_253 = tpu.memref_squeeze %dma_wait3A_252 : memref<1x64x4xi32, #tpu.memory_space<hbm>> -> memref<64x4xi32, #tpu.memory_space<hbm>>
      tpu.wait_dma2 semaphore(%run_scoped3A : memref<!tpu.dma_semaphore, #tpu.memory_space<semaphore_mem>>) src(%dma_wait3A_253 : memref<64x4xi32, #tpu.memory_space<hbm>>) dst(%arg7 : memref<64x4xi32, #tpu.memory_space<vmem>>)
      tpu.yield
    }) : () -> ()
    "tpu.region"() ({
      %run_scoped3A = tpu.sem_alloc : memref<!tpu.dma_semaphore, #tpu.memory_space<semaphore_mem>>
      %dma_start3A_238 = arith.constant 0 : i32
      %dma_start3A_239 = tpu.memref_slice %arg8[%dma_start3A_238] : memref<272xi32, #tpu.memory_space<vmem>> -> memref<256xi32, #tpu.memory_space<vmem>>
      %dma_start3A_240 = tpu.memref_slice %arg4[%mul3A_2] : memref<8192xi32, #tpu.memory_space<hbm>> -> memref<256xi32, #tpu.memory_space<hbm>>
      %dma_start3A_241 = arith.constant 0 : i32
      %dma_start3A_242 = tpu.memref_slice %arg8[%dma_start3A_241] : memref<272xi32, #tpu.memory_space<vmem>> -> memref<256xi32, #tpu.memory_space<vmem>>
      %dma_start3A_243 = tpu.memref_slice %arg4[%mul3A_2] : memref<8192xi32, #tpu.memory_space<hbm>> -> memref<256xi32, #tpu.memory_space<hbm>>
      tpu.enqueue_dma source(%dma_start3A_243 : memref<256xi32, #tpu.memory_space<hbm>>) target(%dma_start3A_242 : memref<256xi32, #tpu.memory_space<vmem>>) target_semaphore(%run_scoped3A : memref<!tpu.dma_semaphore, #tpu.memory_space<semaphore_mem>>)
      %dma_wait3A_244 = arith.constant 0 : i32
      %dma_wait3A_245 = tpu.memref_slice %arg8[%dma_wait3A_244] : memref<272xi32, #tpu.memory_space<vmem>> -> memref<256xi32, #tpu.memory_space<vmem>>
      %dma_wait3A_246 = tpu.memref_slice %arg4[%mul3A_2] : memref<8192xi32, #tpu.memory_space<hbm>> -> memref<256xi32, #tpu.memory_space<hbm>>
      %dma_wait3A_247 = arith.constant 0 : i32
      %dma_wait3A_248 = tpu.memref_slice %arg8[%dma_wait3A_247] : memref<272xi32, #tpu.memory_space<vmem>> -> memref<256xi32, #tpu.memory_space<vmem>>
      %dma_wait3A_249 = tpu.memref_slice %arg4[%mul3A_2] : memref<8192xi32, #tpu.memory_space<hbm>> -> memref<256xi32, #tpu.memory_space<hbm>>
      tpu.wait_dma2 semaphore(%run_scoped3A : memref<!tpu.dma_semaphore, #tpu.memory_space<semaphore_mem>>) src(%dma_wait3A_249 : memref<256xi32, #tpu.memory_space<hbm>>) dst(%dma_wait3A_248 : memref<256xi32, #tpu.memory_space<vmem>>)
      tpu.yield
    }) : () -> ()
    %iota3A = tpu.iota {dimensions = array<i32: 0>} : vector<16xi32>
    %dma_start3A = arith.constant 0 : i32
    %dma_start3A_3 = arith.constant 0 : i32
    %dma_start3A_4 = tpu.memref_slice %arg7[%dma_start3A, %dma_start3A_3] : memref<64x4xi32, #tpu.memory_space<vmem>> -> memref<1x4xi32, #tpu.memory_space<vmem>>
    %dma_start3A_5 = tpu.memref_squeeze %dma_start3A_4 : memref<1x4xi32, #tpu.memory_space<vmem>> -> memref<4xi32, #tpu.memory_space<vmem>>
    %dma_start3A_6 = arith.constant 0 : i32
    %dma_start3A_7 = arith.constant 0 : i32
    %dma_start3A_8 = tpu.memref_slice %arg2[%dma_start3A_6, %dma_start3A_7] : memref<8192x8192xf32, #tpu.memory_space<hbm>> -> memref<8192x8192xf32, #tpu.memory_space<hbm>>
    tpu.enqueue_indirect_dma source(%dma_start3A_8 : memref<8192x8192xf32, #tpu.memory_space<hbm>>) target(%arg9 : memref<4x8192xf32, #tpu.memory_space<vmem>>) offsets(%dma_start3A_5 : memref<4xi32, #tpu.memory_space<vmem>>) semaphore(%arg12 : memref<!tpu.dma_semaphore, #tpu.memory_space<semaphore_mem>>)
    %dma_wait3A = arith.constant 0 : i32
    %dma_wait3A_9 = arith.constant 0 : i32
    %dma_wait3A_10 = tpu.memref_slice %arg7[%dma_wait3A, %dma_wait3A_9] : memref<64x4xi32, #tpu.memory_space<vmem>> -> memref<1x4xi32, #tpu.memory_space<vmem>>
    %dma_wait3A_11 = tpu.memref_squeeze %dma_wait3A_10 : memref<1x4xi32, #tpu.memory_space<vmem>> -> memref<4xi32, #tpu.memory_space<vmem>>
    %dma_wait3A_12 = arith.constant 0 : i32
    %dma_wait3A_13 = arith.constant 0 : i32
    %dma_wait3A_14 = tpu.memref_slice %arg2[%dma_wait3A_12, %dma_wait3A_13] : memref<8192x8192xf32, #tpu.memory_space<hbm>> -> memref<8192x8192xf32, #tpu.memory_space<hbm>>
    tpu.wait_indirect_dma semaphore(%arg12 : memref<!tpu.dma_semaphore, #tpu.memory_space<semaphore_mem>>) src(%dma_wait3A_14 : memref<8192x8192xf32, #tpu.memory_space<hbm>>) dst(%arg9 : memref<4x8192xf32, #tpu.memory_space<vmem>>)
    %add3A_15 = arith.constant 0 : i32
    %add3A_16 = arith.addi %mul3A_2, %add3A_15 : i32
    %dma_start3A_17 = arith.constant 0 : i32
    %dma_start3A_18 = tpu.memref_slice %arg5[%add3A_16, %dma_start3A_17] : memref<8192x8192xf32, #tpu.memory_space<hbm>> -> memref<4x8192xf32, #tpu.memory_space<hbm>>
    %dma_start3A_19 = arith.constant 0 : i32
    %dma_start3A_20 = tpu.memref_slice %arg5[%add3A_16, %dma_start3A_19] : memref<8192x8192xf32, #tpu.memory_space<hbm>> -> memref<4x8192xf32, #tpu.memory_space<hbm>>
    tpu.enqueue_dma source(%arg9 : memref<4x8192xf32, #tpu.memory_space<vmem>>) target(%dma_start3A_20 : memref<4x8192xf32, #tpu.memory_space<hbm>>) target_semaphore(%arg14 : memref<!tpu.dma_semaphore, #tpu.memory_space<semaphore_mem>>)
    %dma_start3A_21 = arith.constant 1 : i32
    %dma_start3A_22 = arith.constant 0 : i32
    %dma_start3A_23 = tpu.memref_slice %arg7[%dma_start3A_21, %dma_start3A_22] : memref<64x4xi32, #tpu.memory_space<vmem>> -> memref<1x4xi32, #tpu.memory_space<vmem>>
    %dma_start3A_24 = tpu.memref_squeeze %dma_start3A_23 : memref<1x4xi32, #tpu.memory_space<vmem>> -> memref<4xi32, #tpu.memory_space<vmem>>
    %dma_start3A_25 = arith.constant 0 : i32
    %dma_start3A_26 = arith.constant 0 : i32
    %dma_start3A_27 = tpu.memref_slice %arg2[%dma_start3A_25, %dma_start3A_26] : memref<8192x8192xf32, #tpu.memory_space<hbm>> -> memref<8192x8192xf32, #tpu.memory_space<hbm>>
    tpu.enqueue_indirect_dma source(%dma_start3A_27 : memref<8192x8192xf32, #tpu.memory_space<hbm>>) target(%arg10 : memref<4x8192xf32, #tpu.memory_space<vmem>>) offsets(%dma_start3A_24 : memref<4xi32, #tpu.memory_space<vmem>>) semaphore(%arg13 : memref<!tpu.dma_semaphore, #tpu.memory_space<semaphore_mem>>)
    %broadcast_in_dim3A = arith.constant 0.000000e+00 : f32
    %broadcast_in_dim3A_28 = vector.broadcast %broadcast_in_dim3A : f32 to vector<16xf32>
    %multiple_of3A = arith.constant 0 : i32
    %multiple_of3A_29 = tpu.assume_multiple %multiple_of3A, 8 : i32
    %get3A = arith.index_cast %multiple_of3A_29 : i32 to index
    %get3A_30 = tpu.vector_load %arg8[%get3A] {strides = array<i32>} : memref<272xi32, #tpu.memory_space<vmem>>, vector<16xi32>,
    %get3A_31 = vector.shape_cast %get3A_30 : vector<16xi32> to vector<16xi32>
    %slice3A = vector.extract_strided_slice %get3A_31 {offsets = [0], sizes = [1], strides = [1]} : vector<16xi32> to vector<1xi32>
    %squeeze3A = vector.extract %slice3A[0] : i32 from vector<1xi32>
    %and3A = arith.constant -16 : i32
    %and3A_32 = arith.andi %squeeze3A, %and3A : i32
    %multiple_of3A_33 = tpu.assume_multiple %and3A_32, 16 : i32
    %get3A_34 = arith.constant 0 : i32
    %get3A_35 = arith.index_cast %get3A_34 : i32 to index
    %get3A_36 = arith.index_cast %multiple_of3A_33 : i32 to index
    %get3A_37 = tpu.vector_load %arg9[%get3A_35, %get3A_36] {strides = array<i32>} : memref<4x8192xf32, #tpu.memory_space<vmem>>, vector<1x16xf32>,
    %get3A_38 = vector.shape_cast %get3A_37 : vector<1x16xf32> to vector<16xf32>
    %and3A_39 = arith.constant 15 : i32
    %and3A_40 = arith.andi %squeeze3A, %and3A_39 : i32
    %eq3A = vector.broadcast %and3A_40 : i32 to vector<16xi32>
    %eq3A_41 = arith.cmpi eq, %iota3A, %eq3A : vector<16xi32>
    %jit3A = arith.constant 0.000000e+00 : f32
    %broadcast_in_dim3A_42 = vector.broadcast %jit3A : f32 to vector<16xf32>
    %select_n3A = arith.select %eq3A_41, %get3A_38, %broadcast_in_dim3A_42 : vector<16xi1>, vector<16xf32>
    %add3A_43 = arith.addf %broadcast_in_dim3A_28, %select_n3A : vector<16xf32>
    %multiple_of3A_44 = arith.constant 0 : i32
    %multiple_of3A_45 = tpu.assume_multiple %multiple_of3A_44, 8 : i32
    %get3A_46 = arith.index_cast %multiple_of3A_45 : i32 to index
    %get3A_47 = tpu.vector_load %arg8[%get3A_46] {strides = array<i32>} : memref<272xi32, #tpu.memory_space<vmem>>, vector<16xi32>,
    %get3A_48 = vector.shape_cast %get3A_47 : vector<16xi32> to vector<16xi32>
    %slice3A_49 = vector.extract_strided_slice %get3A_48 {offsets = [1], sizes = [1], strides = [1]} : vector<16xi32> to vector<1xi32>
    %squeeze3A_50 = vector.extract %slice3A_49[0] : i32 from vector<1xi32>
    %and3A_51 = arith.constant -16 : i32
    %and3A_52 = arith.andi %squeeze3A_50, %and3A_51 : i32
    %multiple_of3A_53 = tpu.assume_multiple %and3A_52, 16 : i32
    %get3A_54 = arith.constant 1 : i32
    %get3A_55 = arith.index_cast %get3A_54 : i32 to index
    %get3A_56 = arith.index_cast %multiple_of3A_53 : i32 to index
    %get3A_57 = tpu.vector_load %arg9[%get3A_55, %get3A_56] {strides = array<i32>} : memref<4x8192xf32, #tpu.memory_space<vmem>>, vector<1x16xf32>,
    %get3A_58 = vector.shape_cast %get3A_57 : vector<1x16xf32> to vector<16xf32>
    %and3A_59 = arith.constant 15 : i32
    %and3A_60 = arith.andi %squeeze3A_50, %and3A_59 : i32
    %eq3A_61 = vector.broadcast %and3A_60 : i32 to vector<16xi32>
    %eq3A_62 = arith.cmpi eq, %iota3A, %eq3A_61 : vector<16xi32>
    %jit3A_63 = arith.constant 0.000000e+00 : f32
    %broadcast_in_dim3A_64 = vector.broadcast %jit3A_63 : f32 to vector<16xf32>
    %select_n3A_65 = arith.select %eq3A_62, %get3A_58, %broadcast_in_dim3A_64 : vector<16xi1>, vector<16xf32>
    %add3A_66 = arith.addf %add3A_43, %select_n3A_65 : vector<16xf32>
    %multiple_of3A_67 = arith.constant 0 : i32
    %multiple_of3A_68 = tpu.assume_multiple %multiple_of3A_67, 8 : i32
    %get3A_69 = arith.index_cast %multiple_of3A_68 : i32 to index
    %get3A_70 = tpu.vector_load %arg8[%get3A_69] {strides = array<i32>} : memref<272xi32, #tpu.memory_space<vmem>>, vector<16xi32>,
    %get3A_71 = vector.shape_cast %get3A_70 : vector<16xi32> to vector<16xi32>
    %slice3A_72 = vector.extract_strided_slice %get3A_71 {offsets = [2], sizes = [1], strides = [1]} : vector<16xi32> to vector<1xi32>
    %squeeze3A_73 = vector.extract %slice3A_72[0] : i32 from vector<1xi32>
    %and3A_74 = arith.constant -16 : i32
    %and3A_75 = arith.andi %squeeze3A_73, %and3A_74 : i32
    %multiple_of3A_76 = tpu.assume_multiple %and3A_75, 16 : i32
    %get3A_77 = arith.constant 2 : i32
    %get3A_78 = arith.index_cast %get3A_77 : i32 to index
    %get3A_79 = arith.index_cast %multiple_of3A_76 : i32 to index
    %get3A_80 = tpu.vector_load %arg9[%get3A_78, %get3A_79] {strides = array<i32>} : memref<4x8192xf32, #tpu.memory_space<vmem>>, vector<1x16xf32>,
    %get3A_81 = vector.shape_cast %get3A_80 : vector<1x16xf32> to vector<16xf32>
    %and3A_82 = arith.constant 15 : i32
    %and3A_83 = arith.andi %squeeze3A_73, %and3A_82 : i32
    %eq3A_84 = vector.broadcast %and3A_83 : i32 to vector<16xi32>
    %eq3A_85 = arith.cmpi eq, %iota3A, %eq3A_84 : vector<16xi32>
    %jit3A_86 = arith.constant 0.000000e+00 : f32
    %broadcast_in_dim3A_87 = vector.broadcast %jit3A_86 : f32 to vector<16xf32>
    %select_n3A_88 = arith.select %eq3A_85, %get3A_81, %broadcast_in_dim3A_87 : vector<16xi1>, vector<16xf32>
    %add3A_89 = arith.addf %add3A_66, %select_n3A_88 : vector<16xf32>
    %multiple_of3A_90 = arith.constant 0 : i32
    %multiple_of3A_91 = tpu.assume_multiple %multiple_of3A_90, 8 : i32
    %get3A_92 = arith.index_cast %multiple_of3A_91 : i32 to index
    %get3A_93 = tpu.vector_load %arg8[%get3A_92] {strides = array<i32>} : memref<272xi32, #tpu.memory_space<vmem>>, vector<16xi32>,
    %get3A_94 = vector.shape_cast %get3A_93 : vector<16xi32> to vector<16xi32>
    %slice3A_95 = vector.extract_strided_slice %get3A_94 {offsets = [3], sizes = [1], strides = [1]} : vector<16xi32> to vector<1xi32>
    %squeeze3A_96 = vector.extract %slice3A_95[0] : i32 from vector<1xi32>
    %and3A_97 = arith.constant -16 : i32
    %and3A_98 = arith.andi %squeeze3A_96, %and3A_97 : i32
    %multiple_of3A_99 = tpu.assume_multiple %and3A_98, 16 : i32
    %get3A_100 = arith.constant 3 : i32
    %get3A_101 = arith.index_cast %get3A_100 : i32 to index
    %get3A_102 = arith.index_cast %multiple_of3A_99 : i32 to index
    %get3A_103 = tpu.vector_load %arg9[%get3A_101, %get3A_102] {strides = array<i32>} : memref<4x8192xf32, #tpu.memory_space<vmem>>, vector<1x16xf32>,
    %get3A_104 = vector.shape_cast %get3A_103 : vector<1x16xf32> to vector<16xf32>
    %and3A_105 = arith.constant 15 : i32
    %and3A_106 = arith.andi %squeeze3A_96, %and3A_105 : i32
    %eq3A_107 = vector.broadcast %and3A_106 : i32 to vector<16xi32>
    %eq3A_108 = arith.cmpi eq, %iota3A, %eq3A_107 : vector<16xi32>
    %jit3A_109 = arith.constant 0.000000e+00 : f32
    %broadcast_in_dim3A_110 = vector.broadcast %jit3A_109 : f32 to vector<16xf32>
    %select_n3A_111 = arith.select %eq3A_108, %get3A_104, %broadcast_in_dim3A_110 : vector<16xi1>, vector<16xf32>
    %add3A_112 = arith.addf %add3A_89, %select_n3A_111 : vector<16xf32>
    %scan3A = arith.constant 0 : i32
    %scan3A_113 = arith.constant 31 : i32
    %scan3A_114 = arith.addi %scan3A, %scan3A_113 : i32
    %scan3A_115 = arith.constant 1 : i32
    %scan3A_116 = scf.for %scan3A_238 = %scan3A to %scan3A_114 step %scan3A_115 iter_args(%scan3A_239 = %add3A_112) -> (vector<16xf32>)  : i32 {
      %mul3A_240 = arith.constant 2 : i32
      %mul3A_241 = arith.muli %mul3A_240, %scan3A_238 : i32
      %add3A_242 = arith.constant 1 : i32
      %add3A_243 = arith.addi %mul3A_241, %add3A_242 : i32
      %dma_wait3A_244 = arith.constant 0 : i32
      %dma_wait3A_245 = tpu.memref_slice %arg7[%add3A_243, %dma_wait3A_244] : memref<64x4xi32, #tpu.memory_space<vmem>> -> memref<1x4xi32, #tpu.memory_space<vmem>>
      %dma_wait3A_246 = tpu.memref_squeeze %dma_wait3A_245 : memref<1x4xi32, #tpu.memory_space<vmem>> -> memref<4xi32, #tpu.memory_space<vmem>>
      %dma_wait3A_247 = arith.constant 0 : i32
      %dma_wait3A_248 = arith.constant 0 : i32
      %dma_wait3A_249 = tpu.memref_slice %arg2[%dma_wait3A_247, %dma_wait3A_248] : memref<8192x8192xf32, #tpu.memory_space<hbm>> -> memref<8192x8192xf32, #tpu.memory_space<hbm>>
      tpu.wait_indirect_dma semaphore(%arg13 : memref<!tpu.dma_semaphore, #tpu.memory_space<semaphore_mem>>) src(%dma_wait3A_249 : memref<8192x8192xf32, #tpu.memory_space<hbm>>) dst(%arg10 : memref<4x8192xf32, #tpu.memory_space<vmem>>)
      %mul3A_250 = arith.constant 4 : i32
      %mul3A_251 = arith.muli %add3A_243, %mul3A_250 : i32
      %add3A_252 = arith.addi %mul3A_2, %mul3A_251 : i32
      %dma_start3A_253 = arith.constant 0 : i32
      %dma_start3A_254 = tpu.memref_slice %arg5[%add3A_252, %dma_start3A_253] : memref<8192x8192xf32, #tpu.memory_space<hbm>> -> memref<4x8192xf32, #tpu.memory_space<hbm>>
      %dma_start3A_255 = arith.constant 0 : i32
      %dma_start3A_256 = tpu.memref_slice %arg5[%add3A_252, %dma_start3A_255] : memref<8192x8192xf32, #tpu.memory_space<hbm>> -> memref<4x8192xf32, #tpu.memory_space<hbm>>
      tpu.enqueue_dma source(%arg10 : memref<4x8192xf32, #tpu.memory_space<vmem>>) target(%dma_start3A_256 : memref<4x8192xf32, #tpu.memory_space<hbm>>) target_semaphore(%arg15 : memref<!tpu.dma_semaphore, #tpu.memory_space<semaphore_mem>>)
      %sub3A = arith.constant 1 : i32
      %sub3A_257 = arith.subi %add3A_243, %sub3A : i32
      %mul3A_258 = arith.constant 4 : i32
      %mul3A_259 = arith.muli %sub3A_257, %mul3A_258 : i32
      %add3A_260 = arith.addi %mul3A_2, %mul3A_259 : i32
      %dma_wait3A_261 = arith.constant 0 : i32
      %dma_wait3A_262 = tpu.memref_slice %arg5[%add3A_260, %dma_wait3A_261] : memref<8192x8192xf32, #tpu.memory_space<hbm>> -> memref<4x8192xf32, #tpu.memory_space<hbm>>
      %dma_wait3A_263 = arith.constant 0 : i32
      %dma_wait3A_264 = tpu.memref_slice %arg5[%add3A_260, %dma_wait3A_263] : memref<8192x8192xf32, #tpu.memory_space<hbm>> -> memref<4x8192xf32, #tpu.memory_space<hbm>>
      tpu.wait_dma2 semaphore(%arg14 : memref<!tpu.dma_semaphore, #tpu.memory_space<semaphore_mem>>) src(%arg9 : memref<4x8192xf32, #tpu.memory_space<vmem>>) dst(%dma_wait3A_264 : memref<4x8192xf32, #tpu.memory_space<hbm>>)
      %add3A_265 = arith.constant 1 : i32
      %add3A_266 = arith.addi %add3A_243, %add3A_265 : i32
      %dma_start3A_267 = arith.constant 0 : i32
      %dma_start3A_268 = tpu.memref_slice %arg7[%add3A_266, %dma_start3A_267] : memref<64x4xi32, #tpu.memory_space<vmem>> -> memref<1x4xi32, #tpu.memory_space<vmem>>
      %dma_start3A_269 = tpu.memref_squeeze %dma_start3A_268 : memref<1x4xi32, #tpu.memory_space<vmem>> -> memref<4xi32, #tpu.memory_space<vmem>>
      %dma_start3A_270 = arith.constant 0 : i32
      %dma_start3A_271 = arith.constant 0 : i32
      %dma_start3A_272 = tpu.memref_slice %arg2[%dma_start3A_270, %dma_start3A_271] : memref<8192x8192xf32, #tpu.memory_space<hbm>> -> memref<8192x8192xf32, #tpu.memory_space<hbm>>
      tpu.enqueue_indirect_dma source(%dma_start3A_272 : memref<8192x8192xf32, #tpu.memory_space<hbm>>) target(%arg9 : memref<4x8192xf32, #tpu.memory_space<vmem>>) offsets(%dma_start3A_269 : memref<4xi32, #tpu.memory_space<vmem>>) semaphore(%arg12 : memref<!tpu.dma_semaphore, #tpu.memory_space<semaphore_mem>>)
      %mul3A_273 = arith.constant 4 : i32
      %mul3A_274 = arith.muli %add3A_243, %mul3A_273 : i32
      %add3A_275 = arith.constant 0 : i32
      %add3A_276 = arith.addi %mul3A_274, %add3A_275 : i32
      %shift_right_arithmetic3A = arith.constant 3 : i32
      %shift_right_arithmetic3A_277 = arith.shrsi %add3A_276, %shift_right_arithmetic3A : i32
      %mul3A_278 = arith.constant 8 : i32
      %mul3A_279 = arith.muli %shift_right_arithmetic3A_277, %mul3A_278 : i32
      %multiple_of3A_280 = tpu.assume_multiple %mul3A_279, 8 : i32
      %get3A_281 = arith.index_cast %multiple_of3A_280 : i32 to index
      %get3A_282 = tpu.vector_load %arg8[%get3A_281] {strides = array<i32>} : memref<272xi32, #tpu.memory_space<vmem>>, vector<16xi32>,
      %get3A_283 = vector.shape_cast %get3A_282 : vector<16xi32> to vector<16xi32>
      %slice3A_284 = vector.extract_strided_slice %get3A_283 {offsets = [4], sizes = [1], strides = [1]} : vector<16xi32> to vector<1xi32>
      %squeeze3A_285 = vector.extract %slice3A_284[0] : i32 from vector<1xi32>
      %and3A_286 = arith.constant -16 : i32
      %and3A_287 = arith.andi %squeeze3A_285, %and3A_286 : i32
      %multiple_of3A_288 = tpu.assume_multiple %and3A_287, 16 : i32
      %get3A_289 = arith.constant 0 : i32
      %get3A_290 = arith.index_cast %get3A_289 : i32 to index
      %get3A_291 = arith.index_cast %multiple_of3A_288 : i32 to index
      %get3A_292 = tpu.vector_load %arg10[%get3A_290, %get3A_291] {strides = array<i32>} : memref<4x8192xf32, #tpu.memory_space<vmem>>, vector<1x16xf32>,
      %get3A_293 = vector.shape_cast %get3A_292 : vector<1x16xf32> to vector<16xf32>
      %and3A_294 = arith.constant 15 : i32
      %and3A_295 = arith.andi %squeeze3A_285, %and3A_294 : i32
      %eq3A_296 = vector.broadcast %and3A_295 : i32 to vector<16xi32>
      %eq3A_297 = arith.cmpi eq, %iota3A, %eq3A_296 : vector<16xi32>
      %jit3A_298 = arith.constant 0.000000e+00 : f32
      %broadcast_in_dim3A_299 = vector.broadcast %jit3A_298 : f32 to vector<16xf32>
      %select_n3A_300 = arith.select %eq3A_297, %get3A_293, %broadcast_in_dim3A_299 : vector<16xi1>, vector<16xf32>
      %add3A_301 = arith.addf %scan3A_239, %select_n3A_300 : vector<16xf32>
      %mul3A_302 = arith.constant 4 : i32
      %mul3A_303 = arith.muli %add3A_243, %mul3A_302 : i32
      %add3A_304 = arith.constant 1 : i32
      %add3A_305 = arith.addi %mul3A_303, %add3A_304 : i32
      %shift_right_arithmetic3A_306 = arith.constant 3 : i32
      %shift_right_arithmetic3A_307 = arith.shrsi %add3A_305, %shift_right_arithmetic3A_306 : i32
      %mul3A_308 = arith.constant 8 : i32
      %mul3A_309 = arith.muli %shift_right_arithmetic3A_307, %mul3A_308 : i32
      %multiple_of3A_310 = tpu.assume_multiple %mul3A_309, 8 : i32
      %get3A_311 = arith.index_cast %multiple_of3A_310 : i32 to index
      %get3A_312 = tpu.vector_load %arg8[%get3A_311] {strides = array<i32>} : memref<272xi32, #tpu.memory_space<vmem>>, vector<16xi32>,
      %get3A_313 = vector.shape_cast %get3A_312 : vector<16xi32> to vector<16xi32>
      %slice3A_314 = vector.extract_strided_slice %get3A_313 {offsets = [5], sizes = [1], strides = [1]} : vector<16xi32> to vector<1xi32>
      %squeeze3A_315 = vector.extract %slice3A_314[0] : i32 from vector<1xi32>
      %and3A_316 = arith.constant -16 : i32
      %and3A_317 = arith.andi %squeeze3A_315, %and3A_316 : i32
      %multiple_of3A_318 = tpu.assume_multiple %and3A_317, 16 : i32
      %get3A_319 = arith.constant 1 : i32
      %get3A_320 = arith.index_cast %get3A_319 : i32 to index
      %get3A_321 = arith.index_cast %multiple_of3A_318 : i32 to index
      %get3A_322 = tpu.vector_load %arg10[%get3A_320, %get3A_321] {strides = array<i32>} : memref<4x8192xf32, #tpu.memory_space<vmem>>, vector<1x16xf32>,
      %get3A_323 = vector.shape_cast %get3A_322 : vector<1x16xf32> to vector<16xf32>
      %and3A_324 = arith.constant 15 : i32
      %and3A_325 = arith.andi %squeeze3A_315, %and3A_324 : i32
      %eq3A_326 = vector.broadcast %and3A_325 : i32 to vector<16xi32>
      %eq3A_327 = arith.cmpi eq, %iota3A, %eq3A_326 : vector<16xi32>
      %jit3A_328 = arith.constant 0.000000e+00 : f32
      %broadcast_in_dim3A_329 = vector.broadcast %jit3A_328 : f32 to vector<16xf32>
      %select_n3A_330 = arith.select %eq3A_327, %get3A_323, %broadcast_in_dim3A_329 : vector<16xi1>, vector<16xf32>
      %add3A_331 = arith.addf %add3A_301, %select_n3A_330 : vector<16xf32>
      %mul3A_332 = arith.constant 4 : i32
      %mul3A_333 = arith.muli %add3A_243, %mul3A_332 : i32
      %add3A_334 = arith.constant 2 : i32
      %add3A_335 = arith.addi %mul3A_333, %add3A_334 : i32
      %shift_right_arithmetic3A_336 = arith.constant 3 : i32
      %shift_right_arithmetic3A_337 = arith.shrsi %add3A_335, %shift_right_arithmetic3A_336 : i32
      %mul3A_338 = arith.constant 8 : i32
      %mul3A_339 = arith.muli %shift_right_arithmetic3A_337, %mul3A_338 : i32
      %multiple_of3A_340 = tpu.assume_multiple %mul3A_339, 8 : i32
      %get3A_341 = arith.index_cast %multiple_of3A_340 : i32 to index
      %get3A_342 = tpu.vector_load %arg8[%get3A_341] {strides = array<i32>} : memref<272xi32, #tpu.memory_space<vmem>>, vector<16xi32>,
      %get3A_343 = vector.shape_cast %get3A_342 : vector<16xi32> to vector<16xi32>
      %slice3A_344 = vector.extract_strided_slice %get3A_343 {offsets = [6], sizes = [1], strides = [1]} : vector<16xi32> to vector<1xi32>
      %squeeze3A_345 = vector.extract %slice3A_344[0] : i32 from vector<1xi32>
      %and3A_346 = arith.constant -16 : i32
      %and3A_347 = arith.andi %squeeze3A_345, %and3A_346 : i32
      %multiple_of3A_348 = tpu.assume_multiple %and3A_347, 16 : i32
      %get3A_349 = arith.constant 2 : i32
      %get3A_350 = arith.index_cast %get3A_349 : i32 to index
      %get3A_351 = arith.index_cast %multiple_of3A_348 : i32 to index
      %get3A_352 = tpu.vector_load %arg10[%get3A_350, %get3A_351] {strides = array<i32>} : memref<4x8192xf32, #tpu.memory_space<vmem>>, vector<1x16xf32>,
      %get3A_353 = vector.shape_cast %get3A_352 : vector<1x16xf32> to vector<16xf32>
      %and3A_354 = arith.constant 15 : i32
      %and3A_355 = arith.andi %squeeze3A_345, %and3A_354 : i32
      %eq3A_356 = vector.broadcast %and3A_355 : i32 to vector<16xi32>
      %eq3A_357 = arith.cmpi eq, %iota3A, %eq3A_356 : vector<16xi32>
      %jit3A_358 = arith.constant 0.000000e+00 : f32
      %broadcast_in_dim3A_359 = vector.broadcast %jit3A_358 : f32 to vector<16xf32>
      %select_n3A_360 = arith.select %eq3A_357, %get3A_353, %broadcast_in_dim3A_359 : vector<16xi1>, vector<16xf32>
      %add3A_361 = arith.addf %add3A_331, %select_n3A_360 : vector<16xf32>
      %mul3A_362 = arith.constant 4 : i32
      %mul3A_363 = arith.muli %add3A_243, %mul3A_362 : i32
      %add3A_364 = arith.constant 3 : i32
      %add3A_365 = arith.addi %mul3A_363, %add3A_364 : i32
      %shift_right_arithmetic3A_366 = arith.constant 3 : i32
      %shift_right_arithmetic3A_367 = arith.shrsi %add3A_365, %shift_right_arithmetic3A_366 : i32
      %mul3A_368 = arith.constant 8 : i32
      %mul3A_369 = arith.muli %shift_right_arithmetic3A_367, %mul3A_368 : i32
      %multiple_of3A_370 = tpu.assume_multiple %mul3A_369, 8 : i32
      %get3A_371 = arith.index_cast %multiple_of3A_370 : i32 to index
      %get3A_372 = tpu.vector_load %arg8[%get3A_371] {strides = array<i32>} : memref<272xi32, #tpu.memory_space<vmem>>, vector<16xi32>,
      %get3A_373 = vector.shape_cast %get3A_372 : vector<16xi32> to vector<16xi32>
      %slice3A_374 = vector.extract_strided_slice %get3A_373 {offsets = [7], sizes = [1], strides = [1]} : vector<16xi32> to vector<1xi32>
      %squeeze3A_375 = vector.extract %slice3A_374[0] : i32 from vector<1xi32>
      %and3A_376 = arith.constant -16 : i32
      %and3A_377 = arith.andi %squeeze3A_375, %and3A_376 : i32
      %multiple_of3A_378 = tpu.assume_multiple %and3A_377, 16 : i32
      %get3A_379 = arith.constant 3 : i32
      %get3A_380 = arith.index_cast %get3A_379 : i32 to index
      %get3A_381 = arith.index_cast %multiple_of3A_378 : i32 to index
      %get3A_382 = tpu.vector_load %arg10[%get3A_380, %get3A_381] {strides = array<i32>} : memref<4x8192xf32, #tpu.memory_space<vmem>>, vector<1x16xf32>,
      %get3A_383 = vector.shape_cast %get3A_382 : vector<1x16xf32> to vector<16xf32>
      %and3A_384 = arith.constant 15 : i32
      %and3A_385 = arith.andi %squeeze3A_375, %and3A_384 : i32
      %eq3A_386 = vector.broadcast %and3A_385 : i32 to vector<16xi32>
      %eq3A_387 = arith.cmpi eq, %iota3A, %eq3A_386 : vector<16xi32>
      %jit3A_388 = arith.constant 0.000000e+00 : f32
      %broadcast_in_dim3A_389 = vector.broadcast %jit3A_388 : f32 to vector<16xf32>
      %select_n3A_390 = arith.select %eq3A_387, %get3A_383, %broadcast_in_dim3A_389 : vector<16xi1>, vector<16xf32>
      %add3A_391 = arith.addf %add3A_361, %select_n3A_390 : vector<16xf32>
      %mul3A_392 = arith.constant 2 : i32
      %mul3A_393 = arith.muli %mul3A_392, %scan3A_238 : i32
      %add3A_394 = arith.constant 2 : i32
      %add3A_395 = arith.addi %mul3A_393, %add3A_394 : i32
      %dma_wait3A_396 = arith.constant 0 : i32
      %dma_wait3A_397 = tpu.memref_slice %arg7[%add3A_395, %dma_wait3A_396] : memref<64x4xi32, #tpu.memory_space<vmem>> -> memref<1x4xi32, #tpu.memory_space<vmem>>
      %dma_wait3A_398 = tpu.memref_squeeze %dma_wait3A_397 : memref<1x4xi32, #tpu.memory_space<vmem>> -> memref<4xi32, #tpu.memory_space<vmem>>
      %dma_wait3A_399 = arith.constant 0 : i32
      %dma_wait3A_400 = arith.constant 0 : i32
      %dma_wait3A_401 = tpu.memref_slice %arg2[%dma_wait3A_399, %dma_wait3A_400] : memref<8192x8192xf32, #tpu.memory_space<hbm>> -> memref<8192x8192xf32, #tpu.memory_space<hbm>>
      tpu.wait_indirect_dma semaphore(%arg12 : memref<!tpu.dma_semaphore, #tpu.memory_space<semaphore_mem>>) src(%dma_wait3A_401 : memref<8192x8192xf32, #tpu.memory_space<hbm>>) dst(%arg9 : memref<4x8192xf32, #tpu.memory_space<vmem>>)
      %mul3A_402 = arith.constant 4 : i32
      %mul3A_403 = arith.muli %add3A_395, %mul3A_402 : i32
      %add3A_404 = arith.addi %mul3A_2, %mul3A_403 : i32
      %dma_start3A_405 = arith.constant 0 : i32
      %dma_start3A_406 = tpu.memref_slice %arg5[%add3A_404, %dma_start3A_405] : memref<8192x8192xf32, #tpu.memory_space<hbm>> -> memref<4x8192xf32, #tpu.memory_space<hbm>>
      %dma_start3A_407 = arith.constant 0 : i32
      %dma_start3A_408 = tpu.memref_slice %arg5[%add3A_404, %dma_start3A_407] : memref<8192x8192xf32, #tpu.memory_space<hbm>> -> memref<4x8192xf32, #tpu.memory_space<hbm>>
      tpu.enqueue_dma source(%arg9 : memref<4x8192xf32, #tpu.memory_space<vmem>>) target(%dma_start3A_408 : memref<4x8192xf32, #tpu.memory_space<hbm>>) target_semaphore(%arg14 : memref<!tpu.dma_semaphore, #tpu.memory_space<semaphore_mem>>)
      %sub3A_409 = arith.constant 1 : i32
      %sub3A_410 = arith.subi %add3A_395, %sub3A_409 : i32
      %mul3A_411 = arith.constant 4 : i32
      %mul3A_412 = arith.muli %sub3A_410, %mul3A_411 : i32
      %add3A_413 = arith.addi %mul3A_2, %mul3A_412 : i32
      %dma_wait3A_414 = arith.constant 0 : i32
      %dma_wait3A_415 = tpu.memref_slice %arg5[%add3A_413, %dma_wait3A_414] : memref<8192x8192xf32, #tpu.memory_space<hbm>> -> memref<4x8192xf32, #tpu.memory_space<hbm>>
      %dma_wait3A_416 = arith.constant 0 : i32
      %dma_wait3A_417 = tpu.memref_slice %arg5[%add3A_413, %dma_wait3A_416] : memref<8192x8192xf32, #tpu.memory_space<hbm>> -> memref<4x8192xf32, #tpu.memory_space<hbm>>
      tpu.wait_dma2 semaphore(%arg15 : memref<!tpu.dma_semaphore, #tpu.memory_space<semaphore_mem>>) src(%arg10 : memref<4x8192xf32, #tpu.memory_space<vmem>>) dst(%dma_wait3A_417 : memref<4x8192xf32, #tpu.memory_space<hbm>>)
      %add3A_418 = arith.constant 1 : i32
      %add3A_419 = arith.addi %add3A_395, %add3A_418 : i32
      %dma_start3A_420 = arith.constant 0 : i32
      %dma_start3A_421 = tpu.memref_slice %arg7[%add3A_419, %dma_start3A_420] : memref<64x4xi32, #tpu.memory_space<vmem>> -> memref<1x4xi32, #tpu.memory_space<vmem>>
      %dma_start3A_422 = tpu.memref_squeeze %dma_start3A_421 : memref<1x4xi32, #tpu.memory_space<vmem>> -> memref<4xi32, #tpu.memory_space<vmem>>
      %dma_start3A_423 = arith.constant 0 : i32
      %dma_start3A_424 = arith.constant 0 : i32
      %dma_start3A_425 = tpu.memref_slice %arg2[%dma_start3A_423, %dma_start3A_424] : memref<8192x8192xf32, #tpu.memory_space<hbm>> -> memref<8192x8192xf32, #tpu.memory_space<hbm>>
      tpu.enqueue_indirect_dma source(%dma_start3A_425 : memref<8192x8192xf32, #tpu.memory_space<hbm>>) target(%arg10 : memref<4x8192xf32, #tpu.memory_space<vmem>>) offsets(%dma_start3A_422 : memref<4xi32, #tpu.memory_space<vmem>>) semaphore(%arg13 : memref<!tpu.dma_semaphore, #tpu.memory_space<semaphore_mem>>)
      %mul3A_426 = arith.constant 4 : i32
      %mul3A_427 = arith.muli %add3A_395, %mul3A_426 : i32
      %add3A_428 = arith.constant 0 : i32
      %add3A_429 = arith.addi %mul3A_427, %add3A_428 : i32
      %shift_right_arithmetic3A_430 = arith.constant 3 : i32
      %shift_right_arithmetic3A_431 = arith.shrsi %add3A_429, %shift_right_arithmetic3A_430 : i32
      %mul3A_432 = arith.constant 8 : i32
      %mul3A_433 = arith.muli %shift_right_arithmetic3A_431, %mul3A_432 : i32
      %multiple_of3A_434 = tpu.assume_multiple %mul3A_433, 8 : i32
      %get3A_435 = arith.index_cast %multiple_of3A_434 : i32 to index
      %get3A_436 = tpu.vector_load %arg8[%get3A_435] {strides = array<i32>} : memref<272xi32, #tpu.memory_space<vmem>>, vector<16xi32>,
      %get3A_437 = vector.shape_cast %get3A_436 : vector<16xi32> to vector<16xi32>
      %slice3A_438 = vector.extract_strided_slice %get3A_437 {offsets = [0], sizes = [1], strides = [1]} : vector<16xi32> to vector<1xi32>
      %squeeze3A_439 = vector.extract %slice3A_438[0] : i32 from vector<1xi32>
      %and3A_440 = arith.constant -16 : i32
      %and3A_441 = arith.andi %squeeze3A_439, %and3A_440 : i32
      %multiple_of3A_442 = tpu.assume_multiple %and3A_441, 16 : i32
      %get3A_443 = arith.constant 0 : i32
      %get3A_444 = arith.index_cast %get3A_443 : i32 to index
      %get3A_445 = arith.index_cast %multiple_of3A_442 : i32 to index
      %get3A_446 = tpu.vector_load %arg9[%get3A_444, %get3A_445] {strides = array<i32>} : memref<4x8192xf32, #tpu.memory_space<vmem>>, vector<1x16xf32>,
      %get3A_447 = vector.shape_cast %get3A_446 : vector<1x16xf32> to vector<16xf32>
      %and3A_448 = arith.constant 15 : i32
      %and3A_449 = arith.andi %squeeze3A_439, %and3A_448 : i32
      %eq3A_450 = vector.broadcast %and3A_449 : i32 to vector<16xi32>
      %eq3A_451 = arith.cmpi eq, %iota3A, %eq3A_450 : vector<16xi32>
      %jit3A_452 = arith.constant 0.000000e+00 : f32
      %broadcast_in_dim3A_453 = vector.broadcast %jit3A_452 : f32 to vector<16xf32>
      %select_n3A_454 = arith.select %eq3A_451, %get3A_447, %broadcast_in_dim3A_453 : vector<16xi1>, vector<16xf32>
      %add3A_455 = arith.addf %add3A_391, %select_n3A_454 : vector<16xf32>
      %mul3A_456 = arith.constant 4 : i32
      %mul3A_457 = arith.muli %add3A_395, %mul3A_456 : i32
      %add3A_458 = arith.constant 1 : i32
      %add3A_459 = arith.addi %mul3A_457, %add3A_458 : i32
      %shift_right_arithmetic3A_460 = arith.constant 3 : i32
      %shift_right_arithmetic3A_461 = arith.shrsi %add3A_459, %shift_right_arithmetic3A_460 : i32
      %mul3A_462 = arith.constant 8 : i32
      %mul3A_463 = arith.muli %shift_right_arithmetic3A_461, %mul3A_462 : i32
      %multiple_of3A_464 = tpu.assume_multiple %mul3A_463, 8 : i32
      %get3A_465 = arith.index_cast %multiple_of3A_464 : i32 to index
      %get3A_466 = tpu.vector_load %arg8[%get3A_465] {strides = array<i32>} : memref<272xi32, #tpu.memory_space<vmem>>, vector<16xi32>,
      %get3A_467 = vector.shape_cast %get3A_466 : vector<16xi32> to vector<16xi32>
      %slice3A_468 = vector.extract_strided_slice %get3A_467 {offsets = [1], sizes = [1], strides = [1]} : vector<16xi32> to vector<1xi32>
      %squeeze3A_469 = vector.extract %slice3A_468[0] : i32 from vector<1xi32>
      %and3A_470 = arith.constant -16 : i32
      %and3A_471 = arith.andi %squeeze3A_469, %and3A_470 : i32
      %multiple_of3A_472 = tpu.assume_multiple %and3A_471, 16 : i32
      %get3A_473 = arith.constant 1 : i32
      %get3A_474 = arith.index_cast %get3A_473 : i32 to index
      %get3A_475 = arith.index_cast %multiple_of3A_472 : i32 to index
      %get3A_476 = tpu.vector_load %arg9[%get3A_474, %get3A_475] {strides = array<i32>} : memref<4x8192xf32, #tpu.memory_space<vmem>>, vector<1x16xf32>,
      %get3A_477 = vector.shape_cast %get3A_476 : vector<1x16xf32> to vector<16xf32>
      %and3A_478 = arith.constant 15 : i32
      %and3A_479 = arith.andi %squeeze3A_469, %and3A_478 : i32
      %eq3A_480 = vector.broadcast %and3A_479 : i32 to vector<16xi32>
      %eq3A_481 = arith.cmpi eq, %iota3A, %eq3A_480 : vector<16xi32>
      %jit3A_482 = arith.constant 0.000000e+00 : f32
      %broadcast_in_dim3A_483 = vector.broadcast %jit3A_482 : f32 to vector<16xf32>
      %select_n3A_484 = arith.select %eq3A_481, %get3A_477, %broadcast_in_dim3A_483 : vector<16xi1>, vector<16xf32>
      %add3A_485 = arith.addf %add3A_455, %select_n3A_484 : vector<16xf32>
      %mul3A_486 = arith.constant 4 : i32
      %mul3A_487 = arith.muli %add3A_395, %mul3A_486 : i32
      %add3A_488 = arith.constant 2 : i32
      %add3A_489 = arith.addi %mul3A_487, %add3A_488 : i32
      %shift_right_arithmetic3A_490 = arith.constant 3 : i32
      %shift_right_arithmetic3A_491 = arith.shrsi %add3A_489, %shift_right_arithmetic3A_490 : i32
      %mul3A_492 = arith.constant 8 : i32
      %mul3A_493 = arith.muli %shift_right_arithmetic3A_491, %mul3A_492 : i32
      %multiple_of3A_494 = tpu.assume_multiple %mul3A_493, 8 : i32
      %get3A_495 = arith.index_cast %multiple_of3A_494 : i32 to index
      %get3A_496 = tpu.vector_load %arg8[%get3A_495] {strides = array<i32>} : memref<272xi32, #tpu.memory_space<vmem>>, vector<16xi32>,
      %get3A_497 = vector.shape_cast %get3A_496 : vector<16xi32> to vector<16xi32>
      %slice3A_498 = vector.extract_strided_slice %get3A_497 {offsets = [2], sizes = [1], strides = [1]} : vector<16xi32> to vector<1xi32>
      %squeeze3A_499 = vector.extract %slice3A_498[0] : i32 from vector<1xi32>
      %and3A_500 = arith.constant -16 : i32
      %and3A_501 = arith.andi %squeeze3A_499, %and3A_500 : i32
      %multiple_of3A_502 = tpu.assume_multiple %and3A_501, 16 : i32
      %get3A_503 = arith.constant 2 : i32
      %get3A_504 = arith.index_cast %get3A_503 : i32 to index
      %get3A_505 = arith.index_cast %multiple_of3A_502 : i32 to index
      %get3A_506 = tpu.vector_load %arg9[%get3A_504, %get3A_505] {strides = array<i32>} : memref<4x8192xf32, #tpu.memory_space<vmem>>, vector<1x16xf32>,
      %get3A_507 = vector.shape_cast %get3A_506 : vector<1x16xf32> to vector<16xf32>
      %and3A_508 = arith.constant 15 : i32
      %and3A_509 = arith.andi %squeeze3A_499, %and3A_508 : i32
      %eq3A_510 = vector.broadcast %and3A_509 : i32 to vector<16xi32>
      %eq3A_511 = arith.cmpi eq, %iota3A, %eq3A_510 : vector<16xi32>
      %jit3A_512 = arith.constant 0.000000e+00 : f32
      %broadcast_in_dim3A_513 = vector.broadcast %jit3A_512 : f32 to vector<16xf32>
      %select_n3A_514 = arith.select %eq3A_511, %get3A_507, %broadcast_in_dim3A_513 : vector<16xi1>, vector<16xf32>
      %add3A_515 = arith.addf %add3A_485, %select_n3A_514 : vector<16xf32>
      %mul3A_516 = arith.constant 4 : i32
      %mul3A_517 = arith.muli %add3A_395, %mul3A_516 : i32
      %add3A_518 = arith.constant 3 : i32
      %add3A_519 = arith.addi %mul3A_517, %add3A_518 : i32
      %shift_right_arithmetic3A_520 = arith.constant 3 : i32
      %shift_right_arithmetic3A_521 = arith.shrsi %add3A_519, %shift_right_arithmetic3A_520 : i32
      %mul3A_522 = arith.constant 8 : i32
      %mul3A_523 = arith.muli %shift_right_arithmetic3A_521, %mul3A_522 : i32
      %multiple_of3A_524 = tpu.assume_multiple %mul3A_523, 8 : i32
      %get3A_525 = arith.index_cast %multiple_of3A_524 : i32 to index
      %get3A_526 = tpu.vector_load %arg8[%get3A_525] {strides = array<i32>} : memref<272xi32, #tpu.memory_space<vmem>>, vector<16xi32>,
      %get3A_527 = vector.shape_cast %get3A_526 : vector<16xi32> to vector<16xi32>
      %slice3A_528 = vector.extract_strided_slice %get3A_527 {offsets = [3], sizes = [1], strides = [1]} : vector<16xi32> to vector<1xi32>
      %squeeze3A_529 = vector.extract %slice3A_528[0] : i32 from vector<1xi32>
      %and3A_530 = arith.constant -16 : i32
      %and3A_531 = arith.andi %squeeze3A_529, %and3A_530 : i32
      %multiple_of3A_532 = tpu.assume_multiple %and3A_531, 16 : i32
      %get3A_533 = arith.constant 3 : i32
      %get3A_534 = arith.index_cast %get3A_533 : i32 to index
      %get3A_535 = arith.index_cast %multiple_of3A_532 : i32 to index
      %get3A_536 = tpu.vector_load %arg9[%get3A_534, %get3A_535] {strides = array<i32>} : memref<4x8192xf32, #tpu.memory_space<vmem>>, vector<1x16xf32>,
      %get3A_537 = vector.shape_cast %get3A_536 : vector<1x16xf32> to vector<16xf32>
      %and3A_538 = arith.constant 15 : i32
      %and3A_539 = arith.andi %squeeze3A_529, %and3A_538 : i32
      %eq3A_540 = vector.broadcast %and3A_539 : i32 to vector<16xi32>
      %eq3A_541 = arith.cmpi eq, %iota3A, %eq3A_540 : vector<16xi32>
      %jit3A_542 = arith.constant 0.000000e+00 : f32
      %broadcast_in_dim3A_543 = vector.broadcast %jit3A_542 : f32 to vector<16xf32>
      %select_n3A_544 = arith.select %eq3A_541, %get3A_537, %broadcast_in_dim3A_543 : vector<16xi1>, vector<16xf32>
      %add3A_545 = arith.addf %add3A_515, %select_n3A_544 : vector<16xf32>
      scf.yield %add3A_545 : vector<16xf32>
    }
    %scan3A_117 = arith.constant 31 : i32
    %dma_wait3A_118 = arith.constant 63 : i32
    %dma_wait3A_119 = arith.constant 0 : i32
    %dma_wait3A_120 = tpu.memref_slice %arg7[%dma_wait3A_118, %dma_wait3A_119] : memref<64x4xi32, #tpu.memory_space<vmem>> -> memref<1x4xi32, #tpu.memory_space<vmem>>
    %dma_wait3A_121 = tpu.memref_squeeze %dma_wait3A_120 : memref<1x4xi32, #tpu.memory_space<vmem>> -> memref<4xi32, #tpu.memory_space<vmem>>
    %dma_wait3A_122 = arith.constant 0 : i32
    %dma_wait3A_123 = arith.constant 0 : i32
    %dma_wait3A_124 = tpu.memref_slice %arg2[%dma_wait3A_122, %dma_wait3A_123] : memref<8192x8192xf32, #tpu.memory_space<hbm>> -> memref<8192x8192xf32, #tpu.memory_space<hbm>>
    tpu.wait_indirect_dma semaphore(%arg13 : memref<!tpu.dma_semaphore, #tpu.memory_space<semaphore_mem>>) src(%dma_wait3A_124 : memref<8192x8192xf32, #tpu.memory_space<hbm>>) dst(%arg10 : memref<4x8192xf32, #tpu.memory_space<vmem>>)
    %add3A_125 = arith.constant 252 : i32
    %add3A_126 = arith.addi %mul3A_2, %add3A_125 : i32
    %dma_start3A_127 = arith.constant 0 : i32
    %dma_start3A_128 = tpu.memref_slice %arg5[%add3A_126, %dma_start3A_127] : memref<8192x8192xf32, #tpu.memory_space<hbm>> -> memref<4x8192xf32, #tpu.memory_space<hbm>>
    %dma_start3A_129 = arith.constant 0 : i32
    %dma_start3A_130 = tpu.memref_slice %arg5[%add3A_126, %dma_start3A_129] : memref<8192x8192xf32, #tpu.memory_space<hbm>> -> memref<4x8192xf32, #tpu.memory_space<hbm>>
    tpu.enqueue_dma source(%arg10 : memref<4x8192xf32, #tpu.memory_space<vmem>>) target(%dma_start3A_130 : memref<4x8192xf32, #tpu.memory_space<hbm>>) target_semaphore(%arg15 : memref<!tpu.dma_semaphore, #tpu.memory_space<semaphore_mem>>)
    %add3A_131 = arith.constant 248 : i32
    %add3A_132 = arith.addi %mul3A_2, %add3A_131 : i32
    %dma_wait3A_133 = arith.constant 0 : i32
    %dma_wait3A_134 = tpu.memref_slice %arg5[%add3A_132, %dma_wait3A_133] : memref<8192x8192xf32, #tpu.memory_space<hbm>> -> memref<4x8192xf32, #tpu.memory_space<hbm>>
    %dma_wait3A_135 = arith.constant 0 : i32
    %dma_wait3A_136 = tpu.memref_slice %arg5[%add3A_132, %dma_wait3A_135] : memref<8192x8192xf32, #tpu.memory_space<hbm>> -> memref<4x8192xf32, #tpu.memory_space<hbm>>
    tpu.wait_dma2 semaphore(%arg14 : memref<!tpu.dma_semaphore, #tpu.memory_space<semaphore_mem>>) src(%arg9 : memref<4x8192xf32, #tpu.memory_space<vmem>>) dst(%dma_wait3A_136 : memref<4x8192xf32, #tpu.memory_space<hbm>>)
    %multiple_of3A_137 = arith.constant 248 : i32
    %multiple_of3A_138 = tpu.assume_multiple %multiple_of3A_137, 8 : i32
    %get3A_139 = arith.index_cast %multiple_of3A_138 : i32 to index
    %get3A_140 = tpu.vector_load %arg8[%get3A_139] {strides = array<i32>} : memref<272xi32, #tpu.memory_space<vmem>>, vector<16xi32>,
    %get3A_141 = vector.shape_cast %get3A_140 : vector<16xi32> to vector<16xi32>
    %slice3A_142 = vector.extract_strided_slice %get3A_141 {offsets = [4], sizes = [1], strides = [1]} : vector<16xi32> to vector<1xi32>
    %squeeze3A_143 = vector.extract %slice3A_142[0] : i32 from vector<1xi32>
    %and3A_144 = arith.constant -16 : i32
    %and3A_145 = arith.andi %squeeze3A_143, %and3A_144 : i32
    %multiple_of3A_146 = tpu.assume_multiple %and3A_145, 16 : i32
    %get3A_147 = arith.constant 0 : i32
    %get3A_148 = arith.index_cast %get3A_147 : i32 to index
    %get3A_149 = arith.index_cast %multiple_of3A_146 : i32 to index
    %get3A_150 = tpu.vector_load %arg10[%get3A_148, %get3A_149] {strides = array<i32>} : memref<4x8192xf32, #tpu.memory_space<vmem>>, vector<1x16xf32>,
    %get3A_151 = vector.shape_cast %get3A_150 : vector<1x16xf32> to vector<16xf32>
    %and3A_152 = arith.constant 15 : i32
    %and3A_153 = arith.andi %squeeze3A_143, %and3A_152 : i32
    %eq3A_154 = vector.broadcast %and3A_153 : i32 to vector<16xi32>
    %eq3A_155 = arith.cmpi eq, %iota3A, %eq3A_154 : vector<16xi32>
    %jit3A_156 = arith.constant 0.000000e+00 : f32
    %broadcast_in_dim3A_157 = vector.broadcast %jit3A_156 : f32 to vector<16xf32>
    %select_n3A_158 = arith.select %eq3A_155, %get3A_151, %broadcast_in_dim3A_157 : vector<16xi1>, vector<16xf32>
    %add3A_159 = arith.addf %scan3A_116, %select_n3A_158 : vector<16xf32>
    %multiple_of3A_160 = arith.constant 248 : i32
    %multiple_of3A_161 = tpu.assume_multiple %multiple_of3A_160, 8 : i32
    %get3A_162 = arith.index_cast %multiple_of3A_161 : i32 to index
    %get3A_163 = tpu.vector_load %arg8[%get3A_162] {strides = array<i32>} : memref<272xi32, #tpu.memory_space<vmem>>, vector<16xi32>,
    %get3A_164 = vector.shape_cast %get3A_163 : vector<16xi32> to vector<16xi32>
    %slice3A_165 = vector.extract_strided_slice %get3A_164 {offsets = [5], sizes = [1], strides = [1]} : vector<16xi32> to vector<1xi32>
    %squeeze3A_166 = vector.extract %slice3A_165[0] : i32 from vector<1xi32>
    %and3A_167 = arith.constant -16 : i32
    %and3A_168 = arith.andi %squeeze3A_166, %and3A_167 : i32
    %multiple_of3A_169 = tpu.assume_multiple %and3A_168, 16 : i32
    %get3A_170 = arith.constant 1 : i32
    %get3A_171 = arith.index_cast %get3A_170 : i32 to index
    %get3A_172 = arith.index_cast %multiple_of3A_169 : i32 to index
    %get3A_173 = tpu.vector_load %arg10[%get3A_171, %get3A_172] {strides = array<i32>} : memref<4x8192xf32, #tpu.memory_space<vmem>>, vector<1x16xf32>,
    %get3A_174 = vector.shape_cast %get3A_173 : vector<1x16xf32> to vector<16xf32>
    %and3A_175 = arith.constant 15 : i32
    %and3A_176 = arith.andi %squeeze3A_166, %and3A_175 : i32
    %eq3A_177 = vector.broadcast %and3A_176 : i32 to vector<16xi32>
    %eq3A_178 = arith.cmpi eq, %iota3A, %eq3A_177 : vector<16xi32>
    %jit3A_179 = arith.constant 0.000000e+00 : f32
    %broadcast_in_dim3A_180 = vector.broadcast %jit3A_179 : f32 to vector<16xf32>
    %select_n3A_181 = arith.select %eq3A_178, %get3A_174, %broadcast_in_dim3A_180 : vector<16xi1>, vector<16xf32>
    %add3A_182 = arith.addf %add3A_159, %select_n3A_181 : vector<16xf32>
    %multiple_of3A_183 = arith.constant 248 : i32
    %multiple_of3A_184 = tpu.assume_multiple %multiple_of3A_183, 8 : i32
    %get3A_185 = arith.index_cast %multiple_of3A_184 : i32 to index
    %get3A_186 = tpu.vector_load %arg8[%get3A_185] {strides = array<i32>} : memref<272xi32, #tpu.memory_space<vmem>>, vector<16xi32>,
    %get3A_187 = vector.shape_cast %get3A_186 : vector<16xi32> to vector<16xi32>
    %slice3A_188 = vector.extract_strided_slice %get3A_187 {offsets = [6], sizes = [1], strides = [1]} : vector<16xi32> to vector<1xi32>
    %squeeze3A_189 = vector.extract %slice3A_188[0] : i32 from vector<1xi32>
    %and3A_190 = arith.constant -16 : i32
    %and3A_191 = arith.andi %squeeze3A_189, %and3A_190 : i32
    %multiple_of3A_192 = tpu.assume_multiple %and3A_191, 16 : i32
    %get3A_193 = arith.constant 2 : i32
    %get3A_194 = arith.index_cast %get3A_193 : i32 to index
    %get3A_195 = arith.index_cast %multiple_of3A_192 : i32 to index
    %get3A_196 = tpu.vector_load %arg10[%get3A_194, %get3A_195] {strides = array<i32>} : memref<4x8192xf32, #tpu.memory_space<vmem>>, vector<1x16xf32>,
    %get3A_197 = vector.shape_cast %get3A_196 : vector<1x16xf32> to vector<16xf32>
    %and3A_198 = arith.constant 15 : i32
    %and3A_199 = arith.andi %squeeze3A_189, %and3A_198 : i32
    %eq3A_200 = vector.broadcast %and3A_199 : i32 to vector<16xi32>
    %eq3A_201 = arith.cmpi eq, %iota3A, %eq3A_200 : vector<16xi32>
    %jit3A_202 = arith.constant 0.000000e+00 : f32
    %broadcast_in_dim3A_203 = vector.broadcast %jit3A_202 : f32 to vector<16xf32>
    %select_n3A_204 = arith.select %eq3A_201, %get3A_197, %broadcast_in_dim3A_203 : vector<16xi1>, vector<16xf32>
    %add3A_205 = arith.addf %add3A_182, %select_n3A_204 : vector<16xf32>
    %multiple_of3A_206 = arith.constant 248 : i32
    %multiple_of3A_207 = tpu.assume_multiple %multiple_of3A_206, 8 : i32
    %get3A_208 = arith.index_cast %multiple_of3A_207 : i32 to index
    %get3A_209 = tpu.vector_load %arg8[%get3A_208] {strides = array<i32>} : memref<272xi32, #tpu.memory_space<vmem>>, vector<16xi32>,
    %get3A_210 = vector.shape_cast %get3A_209 : vector<16xi32> to vector<16xi32>
    %slice3A_211 = vector.extract_strided_slice %get3A_210 {offsets = [7], sizes = [1], strides = [1]} : vector<16xi32> to vector<1xi32>
    %squeeze3A_212 = vector.extract %slice3A_211[0] : i32 from vector<1xi32>
    %and3A_213 = arith.constant -16 : i32
    %and3A_214 = arith.andi %squeeze3A_212, %and3A_213 : i32
    %multiple_of3A_215 = tpu.assume_multiple %and3A_214, 16 : i32
    %get3A_216 = arith.constant 3 : i32
    %get3A_217 = arith.index_cast %get3A_216 : i32 to index
    %get3A_218 = arith.index_cast %multiple_of3A_215 : i32 to index
    %get3A_219 = tpu.vector_load %arg10[%get3A_217, %get3A_218] {strides = array<i32>} : memref<4x8192xf32, #tpu.memory_space<vmem>>, vector<1x16xf32>,
    %get3A_220 = vector.shape_cast %get3A_219 : vector<1x16xf32> to vector<16xf32>
    %and3A_221 = arith.constant 15 : i32
    %and3A_222 = arith.andi %squeeze3A_212, %and3A_221 : i32
    %eq3A_223 = vector.broadcast %and3A_222 : i32 to vector<16xi32>
    %eq3A_224 = arith.cmpi eq, %iota3A, %eq3A_223 : vector<16xi32>
    %jit3A_225 = arith.constant 0.000000e+00 : f32
    %broadcast_in_dim3A_226 = vector.broadcast %jit3A_225 : f32 to vector<16xf32>
    %select_n3A_227 = arith.select %eq3A_224, %get3A_220, %broadcast_in_dim3A_226 : vector<16xi1>, vector<16xf32>
    %add3A_228 = arith.addf %add3A_205, %select_n3A_227 : vector<16xf32>
    %add3A_229 = arith.constant 252 : i32
    %add3A_230 = arith.addi %mul3A_2, %add3A_229 : i32
    %dma_wait3A_231 = arith.constant 0 : i32
    %dma_wait3A_232 = tpu.memref_slice %arg5[%add3A_230, %dma_wait3A_231] : memref<8192x8192xf32, #tpu.memory_space<hbm>> -> memref<4x8192xf32, #tpu.memory_space<hbm>>
    %dma_wait3A_233 = arith.constant 0 : i32
    %dma_wait3A_234 = tpu.memref_slice %arg5[%add3A_230, %dma_wait3A_233] : memref<8192x8192xf32, #tpu.memory_space<hbm>> -> memref<4x8192xf32, #tpu.memory_space<hbm>>
    tpu.wait_dma2 semaphore(%arg15 : memref<!tpu.dma_semaphore, #tpu.memory_space<semaphore_mem>>) src(%arg10 : memref<4x8192xf32, #tpu.memory_space<vmem>>) dst(%dma_wait3A_234 : memref<4x8192xf32, #tpu.memory_space<hbm>>)
    %swap3A = arith.constant 0 : index
    %swap3A_235 = tpu.vector_load %arg11[%swap3A] {strides = array<i32>} : memref<16xf32, #tpu.memory_space<vmem>>, vector<16xf32>,
    %swap3A_236 = vector.shape_cast %swap3A_235 : vector<16xf32> to vector<16xf32>
    %swap3A_237 = vector.shape_cast %add3A_228 : vector<16xf32> to vector<16xf32>
    tpu.vector_store %arg11[%swap3A], %swap3A_237 {strides = array<i32>} : memref<16xf32, #tpu.memory_space<vmem>>, vector<16xf32>,
    "tpu.region"() ({
      %run_scoped3A = tpu.sem_alloc : memref<!tpu.dma_semaphore, #tpu.memory_space<semaphore_mem>>
      %dma_start3A_238 = arith.constant 0 : i32
      %dma_start3A_239 = tpu.memref_slice %arg6[%add3A, %dma_start3A_238] : memref<32x16xf32, #tpu.memory_space<hbm>> -> memref<1x16xf32, #tpu.memory_space<hbm>>
      %dma_start3A_240 = tpu.memref_squeeze %dma_start3A_239 : memref<1x16xf32, #tpu.memory_space<hbm>> -> memref<16xf32, #tpu.memory_space<hbm>>
      %dma_start3A_241 = arith.constant 0 : i32
      %dma_start3A_242 = tpu.memref_slice %arg6[%add3A, %dma_start3A_241] : memref<32x16xf32, #tpu.memory_space<hbm>> -> memref<1x16xf32, #tpu.memory_space<hbm>>
      %dma_start3A_243 = tpu.memref_squeeze %dma_start3A_242 : memref<1x16xf32, #tpu.memory_space<hbm>> -> memref<16xf32, #tpu.memory_space<hbm>>
      tpu.enqueue_dma source(%arg11 : memref<16xf32, #tpu.memory_space<vmem>>) target(%dma_start3A_243 : memref<16xf32, #tpu.memory_space<hbm>>) target_semaphore(%run_scoped3A : memref<!tpu.dma_semaphore, #tpu.memory_space<semaphore_mem>>)
      %dma_wait3A_244 = arith.constant 0 : i32
      %dma_wait3A_245 = tpu.memref_slice %arg6[%add3A, %dma_wait3A_244] : memref<32x16xf32, #tpu.memory_space<hbm>> -> memref<1x16xf32, #tpu.memory_space<hbm>>
      %dma_wait3A_246 = tpu.memref_squeeze %dma_wait3A_245 : memref<1x16xf32, #tpu.memory_space<hbm>> -> memref<16xf32, #tpu.memory_space<hbm>>
      %dma_wait3A_247 = arith.constant 0 : i32
      %dma_wait3A_248 = tpu.memref_slice %arg6[%add3A, %dma_wait3A_247] : memref<32x16xf32, #tpu.memory_space<hbm>> -> memref<1x16xf32, #tpu.memory_space<hbm>>
      %dma_wait3A_249 = tpu.memref_squeeze %dma_wait3A_248 : memref<1x16xf32, #tpu.memory_space<hbm>> -> memref<16xf32, #tpu.memory_space<hbm>>
      tpu.wait_dma2 semaphore(%run_scoped3A : memref<!tpu.dma_semaphore, #tpu.memory_space<semaphore_mem>>) src(%arg11 : memref<16xf32, #tpu.memory_space<vmem>>) dst(%dma_wait3A_249 : memref<16xf32, #tpu.memory_space<hbm>>)
      tpu.yield
    }) : () -> ()
    return
  }
}

#map = affine_map<(d0, d1) -> (0)>
#map1 = affine_map<(d0, d1) -> (0, 0)>
module attributes {stable_mosaic.version = 14 : i64} {
  func.func @_lse_partials(%arg0: i32, %arg1: i32, %arg2: memref<8192xi32, #tpu.memory_space<hbm>>, %arg3: memref<8192xf32, #tpu.memory_space<hbm>>, %arg4: memref<32x16xf32, #tpu.memory_space<hbm>>, %arg5: memref<256xi32, #tpu.memory_space<vmem>>, %arg6: memref<256xf32, #tpu.memory_space<vmem>>, %arg7: memref<16xf32, #tpu.memory_space<vmem>>, %arg8: memref<!tpu.dma_semaphore, #tpu.memory_space<semaphore_mem>>) attributes {dimension_semantics = [#tpu.dimension_semantics<core_parallel>, #tpu.dimension_semantics<subcore_parallel>], iteration_bounds = array<i64: 2, 16>, scalar_prefetch = 0 : i64, scratch_operands = 4 : i64, tpu.core_type = #tpu.core_type<sc_vector_subcore>, window_params = [{transform_indices = #map}, {transform_indices = #map}, {transform_indices = #map1}]} {
    %mul3A = arith.constant 2 : i32
    %mul3A_0 = arith.muli %arg1, %mul3A : i32
    %add3A = arith.addi %mul3A_0, %arg0 : i32
    %mul3A_1 = arith.constant 256 : i32
    %mul3A_2 = arith.muli %add3A, %mul3A_1 : i32
    "tpu.region"() ({
      %run_scoped3A = tpu.sem_alloc : memref<!tpu.dma_semaphore, #tpu.memory_space<semaphore_mem>>
      %dma_start3A_92 = tpu.memref_slice %arg2[%mul3A_2] : memref<8192xi32, #tpu.memory_space<hbm>> -> memref<256xi32, #tpu.memory_space<hbm>>
      %dma_start3A_93 = tpu.memref_slice %arg2[%mul3A_2] : memref<8192xi32, #tpu.memory_space<hbm>> -> memref<256xi32, #tpu.memory_space<hbm>>
      tpu.enqueue_dma source(%dma_start3A_93 : memref<256xi32, #tpu.memory_space<hbm>>) target(%arg5 : memref<256xi32, #tpu.memory_space<vmem>>) target_semaphore(%run_scoped3A : memref<!tpu.dma_semaphore, #tpu.memory_space<semaphore_mem>>)
      %dma_wait3A_94 = tpu.memref_slice %arg2[%mul3A_2] : memref<8192xi32, #tpu.memory_space<hbm>> -> memref<256xi32, #tpu.memory_space<hbm>>
      %dma_wait3A_95 = tpu.memref_slice %arg2[%mul3A_2] : memref<8192xi32, #tpu.memory_space<hbm>> -> memref<256xi32, #tpu.memory_space<hbm>>
      tpu.wait_dma2 semaphore(%run_scoped3A : memref<!tpu.dma_semaphore, #tpu.memory_space<semaphore_mem>>) src(%dma_wait3A_95 : memref<256xi32, #tpu.memory_space<hbm>>) dst(%arg5 : memref<256xi32, #tpu.memory_space<vmem>>)
      tpu.yield
    }) : () -> ()
    %dma_start3A = arith.constant 0 : i32
    %dma_start3A_3 = tpu.memref_slice %arg6[%dma_start3A] : memref<256xf32, #tpu.memory_space<vmem>> -> memref<128xf32, #tpu.memory_space<vmem>>
    %dma_start3A_4 = arith.constant 0 : i32
    %dma_start3A_5 = tpu.memref_slice %arg5[%dma_start3A_4] : memref<256xi32, #tpu.memory_space<vmem>> -> memref<128xi32, #tpu.memory_space<vmem>>
    %dma_start3A_6 = arith.constant 0 : i32
    %dma_start3A_7 = tpu.memref_slice %arg3[%dma_start3A_6] : memref<8192xf32, #tpu.memory_space<hbm>> -> memref<8192xf32, #tpu.memory_space<hbm>>
    tpu.enqueue_indirect_dma source(%dma_start3A_7 : memref<8192xf32, #tpu.memory_space<hbm>>) target(%dma_start3A_3 : memref<128xf32, #tpu.memory_space<vmem>>) offsets(%dma_start3A_5 : memref<128xi32, #tpu.memory_space<vmem>>) semaphore(%arg8 : memref<!tpu.dma_semaphore, #tpu.memory_space<semaphore_mem>>)
    %dma_wait3A = arith.constant 0 : i32
    %dma_wait3A_8 = tpu.memref_slice %arg6[%dma_wait3A] : memref<256xf32, #tpu.memory_space<vmem>> -> memref<128xf32, #tpu.memory_space<vmem>>
    %dma_wait3A_9 = arith.constant 0 : i32
    %dma_wait3A_10 = tpu.memref_slice %arg5[%dma_wait3A_9] : memref<256xi32, #tpu.memory_space<vmem>> -> memref<128xi32, #tpu.memory_space<vmem>>
    %dma_wait3A_11 = arith.constant 0 : i32
    %dma_wait3A_12 = tpu.memref_slice %arg3[%dma_wait3A_11] : memref<8192xf32, #tpu.memory_space<hbm>> -> memref<8192xf32, #tpu.memory_space<hbm>>
    tpu.wait_indirect_dma semaphore(%arg8 : memref<!tpu.dma_semaphore, #tpu.memory_space<semaphore_mem>>) src(%dma_wait3A_12 : memref<8192xf32, #tpu.memory_space<hbm>>) dst(%dma_wait3A_8 : memref<128xf32, #tpu.memory_space<vmem>>)
    %dma_start3A_13 = arith.constant 128 : i32
    %dma_start3A_14 = tpu.memref_slice %arg6[%dma_start3A_13] : memref<256xf32, #tpu.memory_space<vmem>> -> memref<128xf32, #tpu.memory_space<vmem>>
    %dma_start3A_15 = arith.constant 128 : i32
    %dma_start3A_16 = tpu.memref_slice %arg5[%dma_start3A_15] : memref<256xi32, #tpu.memory_space<vmem>> -> memref<128xi32, #tpu.memory_space<vmem>>
    %dma_start3A_17 = arith.constant 0 : i32
    %dma_start3A_18 = tpu.memref_slice %arg3[%dma_start3A_17] : memref<8192xf32, #tpu.memory_space<hbm>> -> memref<8192xf32, #tpu.memory_space<hbm>>
    tpu.enqueue_indirect_dma source(%dma_start3A_18 : memref<8192xf32, #tpu.memory_space<hbm>>) target(%dma_start3A_14 : memref<128xf32, #tpu.memory_space<vmem>>) offsets(%dma_start3A_16 : memref<128xi32, #tpu.memory_space<vmem>>) semaphore(%arg8 : memref<!tpu.dma_semaphore, #tpu.memory_space<semaphore_mem>>)
    %dma_wait3A_19 = arith.constant 128 : i32
    %dma_wait3A_20 = tpu.memref_slice %arg6[%dma_wait3A_19] : memref<256xf32, #tpu.memory_space<vmem>> -> memref<128xf32, #tpu.memory_space<vmem>>
    %dma_wait3A_21 = arith.constant 128 : i32
    %dma_wait3A_22 = tpu.memref_slice %arg5[%dma_wait3A_21] : memref<256xi32, #tpu.memory_space<vmem>> -> memref<128xi32, #tpu.memory_space<vmem>>
    %dma_wait3A_23 = arith.constant 0 : i32
    %dma_wait3A_24 = tpu.memref_slice %arg3[%dma_wait3A_23] : memref<8192xf32, #tpu.memory_space<hbm>> -> memref<8192xf32, #tpu.memory_space<hbm>>
    tpu.wait_indirect_dma semaphore(%arg8 : memref<!tpu.dma_semaphore, #tpu.memory_space<semaphore_mem>>) src(%dma_wait3A_24 : memref<8192xf32, #tpu.memory_space<hbm>>) dst(%dma_wait3A_20 : memref<128xf32, #tpu.memory_space<vmem>>)
    %broadcast_in_dim3A = arith.constant 0.000000e+00 : f32
    %broadcast_in_dim3A_25 = vector.broadcast %broadcast_in_dim3A : f32 to vector<16xf32>
    %get3A = arith.constant 0 : index
    %get3A_26 = tpu.vector_load %arg6[%get3A] {strides = array<i32>} : memref<256xf32, #tpu.memory_space<vmem>>, vector<16xf32>,
    %get3A_27 = vector.shape_cast %get3A_26 : vector<16xf32> to vector<16xf32>
    %add3A_28 = arith.addf %broadcast_in_dim3A_25, %get3A_27 : vector<16xf32>
    %get3A_29 = arith.constant 16 : index
    %get3A_30 = tpu.vector_load %arg6[%get3A_29] {strides = array<i32>} : memref<256xf32, #tpu.memory_space<vmem>>, vector<16xf32>,
    %get3A_31 = vector.shape_cast %get3A_30 : vector<16xf32> to vector<16xf32>
    %add3A_32 = arith.addf %add3A_28, %get3A_31 : vector<16xf32>
    %get3A_33 = arith.constant 32 : index
    %get3A_34 = tpu.vector_load %arg6[%get3A_33] {strides = array<i32>} : memref<256xf32, #tpu.memory_space<vmem>>, vector<16xf32>,
    %get3A_35 = vector.shape_cast %get3A_34 : vector<16xf32> to vector<16xf32>
    %add3A_36 = arith.addf %add3A_32, %get3A_35 : vector<16xf32>
    %get3A_37 = arith.constant 48 : index
    %get3A_38 = tpu.vector_load %arg6[%get3A_37] {strides = array<i32>} : memref<256xf32, #tpu.memory_space<vmem>>, vector<16xf32>,
    %get3A_39 = vector.shape_cast %get3A_38 : vector<16xf32> to vector<16xf32>
    %add3A_40 = arith.addf %add3A_36, %get3A_39 : vector<16xf32>
    %get3A_41 = arith.constant 64 : index
    %get3A_42 = tpu.vector_load %arg6[%get3A_41] {strides = array<i32>} : memref<256xf32, #tpu.memory_space<vmem>>, vector<16xf32>,
    %get3A_43 = vector.shape_cast %get3A_42 : vector<16xf32> to vector<16xf32>
    %add3A_44 = arith.addf %add3A_40, %get3A_43 : vector<16xf32>
    %get3A_45 = arith.constant 80 : index
    %get3A_46 = tpu.vector_load %arg6[%get3A_45] {strides = array<i32>} : memref<256xf32, #tpu.memory_space<vmem>>, vector<16xf32>,
    %get3A_47 = vector.shape_cast %get3A_46 : vector<16xf32> to vector<16xf32>
    %add3A_48 = arith.addf %add3A_44, %get3A_47 : vector<16xf32>
    %get3A_49 = arith.constant 96 : index
    %get3A_50 = tpu.vector_load %arg6[%get3A_49] {strides = array<i32>} : memref<256xf32, #tpu.memory_space<vmem>>, vector<16xf32>,
    %get3A_51 = vector.shape_cast %get3A_50 : vector<16xf32> to vector<16xf32>
    %add3A_52 = arith.addf %add3A_48, %get3A_51 : vector<16xf32>
    %get3A_53 = arith.constant 112 : index
    %get3A_54 = tpu.vector_load %arg6[%get3A_53] {strides = array<i32>} : memref<256xf32, #tpu.memory_space<vmem>>, vector<16xf32>,
    %get3A_55 = vector.shape_cast %get3A_54 : vector<16xf32> to vector<16xf32>
    %add3A_56 = arith.addf %add3A_52, %get3A_55 : vector<16xf32>
    %get3A_57 = arith.constant 128 : index
    %get3A_58 = tpu.vector_load %arg6[%get3A_57] {strides = array<i32>} : memref<256xf32, #tpu.memory_space<vmem>>, vector<16xf32>,
    %get3A_59 = vector.shape_cast %get3A_58 : vector<16xf32> to vector<16xf32>
    %add3A_60 = arith.addf %add3A_56, %get3A_59 : vector<16xf32>
    %get3A_61 = arith.constant 144 : index
    %get3A_62 = tpu.vector_load %arg6[%get3A_61] {strides = array<i32>} : memref<256xf32, #tpu.memory_space<vmem>>, vector<16xf32>,
    %get3A_63 = vector.shape_cast %get3A_62 : vector<16xf32> to vector<16xf32>
    %add3A_64 = arith.addf %add3A_60, %get3A_63 : vector<16xf32>
    %get3A_65 = arith.constant 160 : index
    %get3A_66 = tpu.vector_load %arg6[%get3A_65] {strides = array<i32>} : memref<256xf32, #tpu.memory_space<vmem>>, vector<16xf32>,
    %get3A_67 = vector.shape_cast %get3A_66 : vector<16xf32> to vector<16xf32>
    %add3A_68 = arith.addf %add3A_64, %get3A_67 : vector<16xf32>
    %get3A_69 = arith.constant 176 : index
    %get3A_70 = tpu.vector_load %arg6[%get3A_69] {strides = array<i32>} : memref<256xf32, #tpu.memory_space<vmem>>, vector<16xf32>,
    %get3A_71 = vector.shape_cast %get3A_70 : vector<16xf32> to vector<16xf32>
    %add3A_72 = arith.addf %add3A_68, %get3A_71 : vector<16xf32>
    %get3A_73 = arith.constant 192 : index
    %get3A_74 = tpu.vector_load %arg6[%get3A_73] {strides = array<i32>} : memref<256xf32, #tpu.memory_space<vmem>>, vector<16xf32>,
    %get3A_75 = vector.shape_cast %get3A_74 : vector<16xf32> to vector<16xf32>
    %add3A_76 = arith.addf %add3A_72, %get3A_75 : vector<16xf32>
    %get3A_77 = arith.constant 208 : index
    %get3A_78 = tpu.vector_load %arg6[%get3A_77] {strides = array<i32>} : memref<256xf32, #tpu.memory_space<vmem>>, vector<16xf32>,
    %get3A_79 = vector.shape_cast %get3A_78 : vector<16xf32> to vector<16xf32>
    %add3A_80 = arith.addf %add3A_76, %get3A_79 : vector<16xf32>
    %get3A_81 = arith.constant 224 : index
    %get3A_82 = tpu.vector_load %arg6[%get3A_81] {strides = array<i32>} : memref<256xf32, #tpu.memory_space<vmem>>, vector<16xf32>,
    %get3A_83 = vector.shape_cast %get3A_82 : vector<16xf32> to vector<16xf32>
    %add3A_84 = arith.addf %add3A_80, %get3A_83 : vector<16xf32>
    %get3A_85 = arith.constant 240 : index
    %get3A_86 = tpu.vector_load %arg6[%get3A_85] {strides = array<i32>} : memref<256xf32, #tpu.memory_space<vmem>>, vector<16xf32>,
    %get3A_87 = vector.shape_cast %get3A_86 : vector<16xf32> to vector<16xf32>
    %add3A_88 = arith.addf %add3A_84, %get3A_87 : vector<16xf32>
    %swap3A = arith.constant 0 : index
    %swap3A_89 = tpu.vector_load %arg7[%swap3A] {strides = array<i32>} : memref<16xf32, #tpu.memory_space<vmem>>, vector<16xf32>,
    %swap3A_90 = vector.shape_cast %swap3A_89 : vector<16xf32> to vector<16xf32>
    %swap3A_91 = vector.shape_cast %add3A_88 : vector<16xf32> to vector<16xf32>
    tpu.vector_store %arg7[%swap3A], %swap3A_91 {strides = array<i32>} : memref<16xf32, #tpu.memory_space<vmem>>, vector<16xf32>,
    "tpu.region"() ({
      %run_scoped3A = tpu.sem_alloc : memref<!tpu.dma_semaphore, #tpu.memory_space<semaphore_mem>>
      %dma_start3A_92 = arith.constant 0 : i32
      %dma_start3A_93 = tpu.memref_slice %arg4[%add3A, %dma_start3A_92] : memref<32x16xf32, #tpu.memory_space<hbm>> -> memref<1x16xf32, #tpu.memory_space<hbm>>
      %dma_start3A_94 = tpu.memref_squeeze %dma_start3A_93 : memref<1x16xf32, #tpu.memory_space<hbm>> -> memref<16xf32, #tpu.memory_space<hbm>>
      %dma_start3A_95 = arith.constant 0 : i32
      %dma_start3A_96 = tpu.memref_slice %arg4[%add3A, %dma_start3A_95] : memref<32x16xf32, #tpu.memory_space<hbm>> -> memref<1x16xf32, #tpu.memory_space<hbm>>
      %dma_start3A_97 = tpu.memref_squeeze %dma_start3A_96 : memref<1x16xf32, #tpu.memory_space<hbm>> -> memref<16xf32, #tpu.memory_space<hbm>>
      tpu.enqueue_dma source(%arg7 : memref<16xf32, #tpu.memory_space<vmem>>) target(%dma_start3A_97 : memref<16xf32, #tpu.memory_space<hbm>>) target_semaphore(%run_scoped3A : memref<!tpu.dma_semaphore, #tpu.memory_space<semaphore_mem>>)
      %dma_wait3A_98 = arith.constant 0 : i32
      %dma_wait3A_99 = tpu.memref_slice %arg4[%add3A, %dma_wait3A_98] : memref<32x16xf32, #tpu.memory_space<hbm>> -> memref<1x16xf32, #tpu.memory_space<hbm>>
      %dma_wait3A_100 = tpu.memref_squeeze %dma_wait3A_99 : memref<1x16xf32, #tpu.memory_space<hbm>> -> memref<16xf32, #tpu.memory_space<hbm>>
      %dma_wait3A_101 = arith.constant 0 : i32
      %dma_wait3A_102 = tpu.memref_slice %arg4[%add3A, %dma_wait3A_101] : memref<32x16xf32, #tpu.memory_space<hbm>> -> memref<1x16xf32, #tpu.memory_space<hbm>>
      %dma_wait3A_103 = tpu.memref_squeeze %dma_wait3A_102 : memref<1x16xf32, #tpu.memory_space<hbm>> -> memref<16xf32, #tpu.memory_space<hbm>>
      tpu.wait_dma2 semaphore(%run_scoped3A : memref<!tpu.dma_semaphore, #tpu.memory_space<semaphore_mem>>) src(%arg7 : memref<16xf32, #tpu.memory_space<vmem>>) dst(%dma_wait3A_103 : memref<16xf32, #tpu.memory_space<hbm>>)
      tpu.yield
    }) : () -> ()
    return
  }
}

module attributes {stable_mosaic.version = 14 : i64} {
  func.func @_lse_body(%arg0: i32, %arg1: memref<256x8192xf32, #tpu.memory_space<vmem>>, %arg2: memref<1x1x256xf32, #tpu.memory_space<vmem>>) attributes {dimension_semantics = [#tpu.dimension_semantics<arbitrary>], iteration_bounds = array<i64: 32>, scalar_prefetch = 0 : i64, scratch_operands = 0 : i64, tpu.core_type = #tpu.core_type<tc>, window_params = [{transform_indices = @transform_0, window_bounds = array<i64: 256, 8192>}, {transform_indices = @transform_1, window_bounds = array<i64: 1, 1, 256>}]} {
    %get3A = arith.constant 0 : index
    %get3A_0 = arith.constant 0 : index
    %get3A_1 = vector.load %arg1[%get3A, %get3A_0] : memref<256x8192xf32, #tpu.memory_space<vmem>>, vector<256x8192xf32>
    %reduce_max3A = arith.constant dense<0xFF800000> : vector<256xf32>
    %reduce_max3A_2 = vector.multi_reduction <maximumf>, %get3A_1, %reduce_max3A [1] : vector<256x8192xf32> to vector<256xf32>
    %broadcast_in_dim3A = vector.shape_cast %reduce_max3A_2 : vector<256xf32> to vector<256x1xf32>
    %sub3A = vector.broadcast %broadcast_in_dim3A : vector<256x1xf32> to vector<256x8192xf32>
    %sub3A_3 = arith.subf %get3A_1, %sub3A : vector<256x8192xf32>
    %exp3A = math.exp %sub3A_3 : vector<256x8192xf32>
    %reduce_sum3A = arith.constant dense<0.000000e+00> : vector<256xf32>
    %reduce_sum3A_4 = vector.multi_reduction <add>, %exp3A, %reduce_sum3A [1] : vector<256x8192xf32> to vector<256xf32>
    %log3A = math.log %reduce_sum3A_4 : vector<256xf32>
    %add3A = arith.addf %reduce_max3A_2, %log3A : vector<256xf32>
    %swap3A = arith.constant 0 : index
    %swap3A_5 = arith.constant 0 : index
    %swap3A_6 = arith.constant 0 : index
    %swap3A_7 = vector.load %arg2[%swap3A, %swap3A_5, %swap3A_6] : memref<1x1x256xf32, #tpu.memory_space<vmem>>, vector<1x1x256xf32>
    %swap3A_8 = vector.shape_cast %swap3A_7 : vector<1x1x256xf32> to vector<256xf32>
    %swap3A_9 = vector.shape_cast %add3A : vector<256xf32> to vector<1x1x256xf32>
    tpu.vector_store %arg2[%swap3A, %swap3A_5, %swap3A_6], %swap3A_9 {strides = array<i32>} : memref<1x1x256xf32, #tpu.memory_space<vmem>>, vector<1x1x256xf32>,
    return
  }
  func.func @transform_0(%arg0: i32) -> (i32, i32) {
    %c0_i32 = arith.constant 0 : i32
    %c0_i32_0 = arith.constant 0 : i32
    return %arg0, %c0_i32 : i32, i32
  }
  func.func @transform_1(%arg0: i32) -> (i32, i32, i32) {
    %c0_i32 = arith.constant 0 : i32
    %c0_i32_0 = arith.constant 0 : i32
    %c0_i32_1 = arith.constant 0 : i32
    return %arg0, %c0_i32, %c0_i32_0 : i32, i32, i32
  }
}

</mosaic_0001>

<sc_bundles>
// kernel: kernel.5.cloned.1.call-start
scs
__scs_entry_jumppad:
0x0: {  	(pc) =	sbr.rel $0x88, $3  }
0x1: {  	(tag) =	ssettag $0x0;
	lr =	simm.s32 $0x1  }
0x2: {  	[smem:$0x3F9E] =	sst lr;
	_ =	strace $0xD0000000  }
0x3: {  	_ = 	snop  }
0x4: {  	_ = 	snop  }
0x5: {  	_ = 	snop  }
0x6: {  	_ = 	snop  }
0x7: {  	_ = 	snop  }
__scs_overlays_trampoline_lowered:
0x8: {  	[smem:$0x3FAD] =	sst s0  }
0x9: {  	[smem:$0x3FAE] =	sst s1  }
0xa: {  	[smem:$0x3FAF] =	sst s2  }
0xb: {  	[smem:$0x3FB0] =	sst s3  }
0xc: {  	[smem:$0x3FB1] =	sst s4  }
0xd: {  	[smem:$0x3FB2] =	sst s5  }
0xe: {  	[smem:$0x3FB3] =	sst s6  }
0xf: {  	[smem:$0x3FB4] =	sst s7  }
0x10: {  	[smem:$0x3FB5] =	sst s8  }
0x11: {  	[smem:$0x3FB6] =	sst s9;
	s0 =	simm.s32 @!p0 $0x0  }
0x12: {  	s1 =	sld [smem:$0x3F9C];
	s0 =	simm.s32 @p0 $0x1  }
0x13: {  	[smem:$0x3FB7] =	sst s0;
	s0 =	simm.s32 @!p1 $0x0  }
0x14: {  	s2 =	sld [smem:$0x3F9B];
	s0 =	simm.s32 @p1 $0x1  }
0x15: {  	[smem:$0x3FB8] =	sst s0;
	s0 =	simm.s32 @!p2 $0x0  }
0x16: {  	s3 =	sld [smem:$0x3FDB];
	s0 =	simm.s32 @p2 $0x1  }
0x17: {  	s4 =	simm.s32 $0x1BF5;
	[smem:$0x3FBA] =	sst s0  }
0x18: {  	s0 =	sld [smem:$0x3F9D];
	_ =	swait.ge [sflag:s4], $0x0  }
0x19: {  	s7 =	sld [smem:$0x3F9E]  }
0x1a: {  	s8 =	sadd.s32 $0xFFFFE003, lr  }
0x1b: {  	s9 =	sadd.s32 $0xFFFFFEF7, lr;
	s5 =	simm.s32 $0xFFFFFFFF;
	p2 =	slt.u32 s8, $0xFFFFF086  }
0x1c: {  	p1 =	slt.u32 s9, $0xF7A;
	s5 =	simm.s32 @!p2 $0x0  }
0x1d: {  	s5 =	simm.s32 @p1 $0x1;
	p0 =	seq.s32 s7, s2  }
0x1e: {  	s7 =	smul.u32 @!p0 $0xF7A, s2;
	p2 =	seq.s32 @!p0 s5, $0x0  }
0x1f: {  	s9 =	smul.u32 $0xF7A, s1;
	s8 =	simm.s32 @!p0 $0x1BF5;
	p2 =	por !p2, p0  }
0x20: {  	[sflag:s8] =	ssyncset.s32 @!p0 $0xFFFFF086;
	s6 =	sadd.s32 @!p0 s3, s7;
	s7 =	simm.s32 @!p0 $0x108  }
0x21: {  	s3 =	sadd.s32 s3, s9;
	s6 =	sadd.s32 @!p0 $0x88, s6;
	s7 =	simm.s32 @p2 $0x1082  }
0x22: {  	[simem:s7], [sflag:s8] =	dma.local @!p0 [hbm:s6], $0xF7A  }
0x23: {  	s9 =	sor.u32 $0xD0000000, s2;
	s6 =	simm.s32 $0x108;
	_ =	swait.ge @!p0 [sflag:s8], $0x0  }
0x24: {  	s3 =	sadd.s32 $0x88, s3;
	s6 =	simm.s32 @!p1 $0x1082;
	[sflag:s4] =	ssyncset.s32 $0xFFFFF086  }
0x25: {  	[simem:s6], [sflag:s4] =	dma.local [hbm:s3], $0xF7A  }
0x26: {  	[smem:$0x3F9E] =	sst s1;
	(tag) =	ssettag s2;
	_ =	strace s9  }
0x27: {  	s1 =	sld [smem:$0x3FAE]  }
0x28: {  	s2 =	sld [smem:$0x3FAF]  }
0x29: {  	s4 =	sld [smem:$0x3FB1]  }
0x2a: {  	p0 =	seq.s32 s5, $0x0;
	s5 =	sld [smem:$0x3FB2]  }
0x2b: {  	s6 =	sld [smem:$0x3FB3]  }
0x2c: {  	s7 =	sld [smem:$0x3FB4]  }
0x2d: {  	s3 =	simm.s32 $0x108;
	s8 =	sld [smem:$0x3FB5]  }
0x2e: {  	s3 =	simm.s32 @!p0 $0x1082;
	s9 =	sld [smem:$0x3FB6]  }
0x2f: {  	lr =	sadd.s32 s0, s3;
	s0 =	sld [smem:$0x3FAD]  }
0x30: {  	s3 =	sld [smem:$0x3FB0]  }
0x31: {  	[smem:$0x3FB9] =	sst s10  }
0x32: {  	s10 =	sld [smem:$0x3FB7];
	_ =	sdelay $0x3  }
0x33: {  	p0 =	seq.s32 s10, $0x1;
	s10 =	sld [smem:$0x3FB9];
	_ =	sdelay $0x3  }
0x34: {  	[smem:$0x3FB9] =	sst s10  }
0x35: {  	s10 =	sld [smem:$0x3FB8];
	_ =	sdelay $0x3  }
0x36: {  	p1 =	seq.s32 s10, $0x1;
	s10 =	sld [smem:$0x3FB9];
	_ =	sdelay $0x3  }
0x37: {  	[smem:$0x3FB9] =	sst s10  }
0x38: {  	s10 =	sld [smem:$0x3FBA]  }
0x39: {  	_ = 	snop;
	(pc) =	sbr.ind lr, $3  }
0x3a: {  	_ = 	snop  }
0x3b: {  	_ = 	snop  }
0x3c: {  	p2 =	seq.s32 s10, $0x1;
	s10 =	sld [smem:$0x3FB9]  }
0x3d: {  	_ =	shalt  }
0x3e: {  	_ =	shalt  }
0x3f: {  	_ =	shalt  }
0x40: {  	_ =	shalt  }
0x41: {  	_ =	shalt  }
0x42: {  	_ =	shalt  }
0x43: {  	_ =	shalt  }
0x44: {  	_ =	shalt  }
0x45: {  	_ =	shalt  }
0x46: {  	_ =	shalt  }
0x47: {  	_ =	shalt  }
0x48: {  	_ =	shalt  }
0x49: {  	_ =	shalt  }
0x4a: {  	_ =	shalt  }
0x4b: {  	_ =	shalt  }
0x4c: {  	_ =	shalt  }
0x4d: {  	_ =	shalt  }
0x4e: {  	_ =	shalt  }
0x4f: {  	_ =	shalt  }
0x50: {  	_ =	shalt  }
0x51: {  	_ =	shalt  }
0x52: {  	_ =	shalt  }
0x53: {  	_ =	shalt  }
0x54: {  	_ =	shalt  }
0x55: {  	_ =	shalt  }
0x56: {  	_ =	shalt  }
0x57: {  	_ =	shalt  }
0x58: {  	_ =	shalt  }
0x59: {  	_ =	shalt  }
0x5a: {  	_ =	shalt  }
0x5b: {  	_ =	shalt  }
0x5c: {  	_ =	shalt  }
0x5d: {  	_ =	shalt  }
0x5e: {  	_ =	shalt  }
0x5f: {  	_ =	shalt  }
0x60: {  	_ =	shalt  }
0x61: {  	_ =	shalt  }
0x62: {  	_ =	shalt  }
0x63: {  	_ =	shalt  }
0x64: {  	_ =	shalt  }
0x65: {  	_ =	shalt  }
0x66: {  	_ =	shalt  }
0x67: {  	_ =	shalt  }
0x68: {  	_ =	shalt  }
0x69: {  	_ =	shalt  }
0x6a: {  	_ =	shalt  }
0x6b: {  	_ =	shalt  }
0x6c: {  	_ =	shalt  }
0x6d: {  	_ =	shalt  }
0x6e: {  	_ =	shalt  }
0x6f: {  	_ =	shalt  }
0x70: {  	_ =	shalt  }
0x71: {  	_ =	shalt  }
0x72: {  	_ =	shalt  }
0x73: {  	_ =	shalt  }
0x74: {  	_ =	shalt  }
0x75: {  	_ =	shalt  }
0x76: {  	_ =	shalt  }
0x77: {  	_ =	shalt  }
0x78: {  	_ =	shalt  }
0x79: {  	_ =	shalt  }
0x7a: {  	_ =	shalt  }
0x7b: {  	_ =	shalt  }
0x7c: {  	_ =	shalt  }
0x7d: {  	_ =	shalt  }
0x7e: {  	_ =	shalt  }
0x7f: {  	_ =	shalt  }
0x80: {  	_ =	shalt  }
0x81: {  	_ =	shalt  }
0x82: {  	_ =	shalt  }
0x83: {  	_ =	shalt  }
0x84: {  	_ =	shalt  }
0x85: {  	_ =	shalt  }
0x86: {  	_ =	shalt  }
0x87: {  	_ =	shalt  }
.Lfunc_end0:
.L_simem_size_0:
called_computation_lowered:
.L_overlay_start_0:
0x88: {  	s2 =	sld [smem:$0x3FD9]  }
0x89: {  	s3 =	sld [smem:$0x3FFE];
	_ =	sdelay $0x1  }
0x8a: {  	s1 =	srdreg.scid  }
0x8b: {  	s0 =	sand.u32 $0x1, s1  }
0x8c: {  	s14 =	sshll.u32 s0, $0xA;
	s2 =	sadd.s32 s3, s2  }
0x8d: {  	s2 =	sadd.s32 s2, s14  }
0x8e: {  	[smem:$0x3FC5] =	sst s2  }
0x8f: {  	_ = 	snop  }
0x90: {  	s2 =	sld [smem:$0x3FD0];
	_ =	sdelay $0x2  }
0x91: {  	s4 =	simm.s32 $0xB;
	s5 =	simm.s32 $0x10;
	s15 =	sld [smem:$0x3FC7]  }
0x92: {  	[smem:s5], [sflag:s4] =	dma.local [hbm:s2], $0x1  }
0x93: {  	_ =	swait.eq [sflag:s4], $0x1  }
0x94: {  	[sflag:s4] =	ssyncset.done $0x0  }
0x95: {  	[sflag:s4] =	ssyncadd.s32 $0xFFFFFFFF  }
0x96: {  	s16 =	sld [smem:$0x10];
	(tm) =	ssettm $0x1  }
0x97: {  	s17 =	sld [smem:$0x3FFB];
	_ =	sdelay $0x3  }
0x98: {  	_ =	strace s17  }
0x99: {  	s4 =	sld [smem:$0x3FFC];
	_ =	sdelay $0x3  }
0x9a: {  	_ =	strace s4  }
0x9b: {  	s4 =	sld [smem:$0x3FFD];
	_ =	sdelay $0x3  }
0x9c: {  	_ =	strace s4  }
0x9d: {  	_ =	strace $0x8FFFFFFF  }
0x9e: {  	s18 =	sld [smem:$0x3FDB];
	_ =	sdelay $0x1  }
0x9f: {  	s19 =	simm.s32 $_scs_section_size  }
0xa0: {  	s6 =	simm.s32 $_size__tile_overlayer_lowered;
	s7 =	simm.s32 $_tile_overlayer_lowered  }
0xa1: {  	s22 =	simm.s32 $0x1BFF;
	s21 =	sshll.u32 s7, $0x1;
	s4 =	sadd.s32 s19, s18  }
0xa2: {  	s8 =	simm.s32 $0x0;
	s20 =	sshll.u32 s6, $0x1;
	s6 =	sadd.s32 s21, s4  }
0xa3: {  	[timem:s8], [sflag:s22] =	dma.local [hbm:s6], s20  }
0xa4: {  	_ =	swait.ge [sflag:s22], s20  }
0xa5: {  	s5 =	ssub.s32 $0x0, s20;
	[sflag:s22] =	ssyncset.done $0x0  }
0xa6: {  	[sflag:s22] =	ssyncadd.s32 s5;
	_ =	sdelay $0x1  }
0xa7: {  	s23 =	simm.s32 $0x1B8B  }
0xa8: {  	_ =	swait.ge [sflag:s23], $0x1  }
0xa9: {  	[sflag:s23] =	ssyncset.done $0x0  }
0xaa: {  	s25 =	simm.s32 $0x1B8E;
	s24 =	sld [smem:$0x3FFE];
	[sflag:s23] =	ssyncadd.s32 $0xFFFFFFFF  }
0xab: {  	s26 =	simm.s32 $execute0_lowered;
	[smem:$0x3FD2] =	sst s25  }
0xac: {  	s6 =	sshll.u32 s26, $0x1;
	_ =	strace $0x80000046;
	[dreg:$0x1] =	wrdreg $0xFFFFFFFF  }
0xad: {  	s28 =	simm.s32 $_size_execute0_lowered;
	s4 =	sadd.s32 s4, s6;
	[dreg:$0x0] =	wrdreg $0x0  }
0xae: {  	s6 =	sshll.u32 s28, $0x1;
	[dreg:$0x2] =	wrdreg s4  }
0xaf: {  	[dreg:$0x3] =	wrdreg s6  }
0xb0: {  	[dreg:$0x4] =	wrdreg $0xC0  }
0xb1: {  	_ =	task [dreg:s8], $0x5FFFF  }
0xb2: {  	[dreg:$0x1] =	wrdreg $0xFFFFFFFF  }
0xb3: {  	[dreg:$0x0] =	wrdreg $0x60  }
0xb4: {  	[dreg:$0x2] =	wrdreg s15  }
0xb5: {  	[dreg:$0x3] =	wrdreg s24  }
0xb6: {  	[dreg:$0x4] =	wrdreg s16  }
0xb7: {  	[dreg:$0x5] =	wrdreg $0x9  }
0xb8: {  	_ =	task.clear_ibuf [dreg:s8], $0x6FFFF;
	_ =	strace $0x90000046  }
0xb9: {  	s29 =	simm.s32 $0x9;
	_ =	strace $0x80000048  }
0xba: {  	_ =	swait.ge [sflag:s29], $0x1  }
0xbb: {  	[sflag:s29] =	ssyncadd.s32 $0xFFFFFFFF  }
0xbc: {  	_ =	strace $0x90000048  }
0xbd: {  	_ =	sfence  }
0xbe: {  	s30 =	sld [smem:$0x0];
	_ =	sdelay $0x2  }
0xbf: {  	s31 =	sshll.u32 s1, $0xD;
	s1 =	sshrl.u32 s1, $0x2  }
0xc0: {  	s3 =	sand.u32 $0x4000, s31;
	s1 =	sadd.s32 s1, s30  }
0xc1: {  	s0 =	sor.u32 s3, s0;
	s1 =	sshll.u32 s1, $0x11  }
0xc2: {  	s0 =	sor.u32 s1, s0  }
0xc3: {  	s0 =	sadd.s32 $0x8F2B, s0  }
0xc4: {  	[sflag:s0] =	ssyncadd.remote.s32 $0x1  }
0xc5: {  	_ =	sfence.sel $0xFFFF  }
0xc6: {  	[dreg:$0x0] =	wrdreg $0xFFFFFFFF;
	(pc) =	sbr.abs _section_cstart, $3  }
0xc7: {  	[dreg:$0x1] =	wrdreg $0xFFFFFFFF  }
0xc8: {  	_ =	task.clear_ibuf [dreg:s8], $0x2FFFF;
	_ =	strace $0x9FFFFFFF  }
0xc9: {  	(tm) =	ssettm $0x7FFFFFFF  }
tec
execute0_lowered:
.L_overlay_start_1:
0x0: {  	(tag) =	ssettag $0x1  }
0x1: {  	s23 =	rddreg [dreg:$0x0]  }
0x2: {  	s0 =	rddreg [dreg:$0x1]  }
0x3: {  	s4 =	rddreg [dreg:$0x2];
	s9 =	simm.s32 $0x0  }
0x4: {  	[smem:$0x7FF] =	sst s9;
	s11 =	sadd.s32 $0x200, s23  }
0x5: {  	s12 =	sadd.s32 $0x400, s23;
	_ =	strace $0x80000047;
	[dreg:$0x6] =	wrdreg s11  }
0x6: {  	s13 =	sadd.s32 $0x600, s23;
	[dreg:$0x7] =	wrdreg s12  }
0x7: {  	s14 =	sadd.s32 $0x800, s23;
	[dreg:$0x8] =	wrdreg s13  }
0x8: {  	s15 =	sadd.s32 $0xA00, s23;
	[dreg:$0x9] =	wrdreg s14  }
0x9: {  	s16 =	sadd.s32 $0xC00, s23;
	[dreg:$0xa] =	wrdreg s15  }
0xa: {  	s17 =	sadd.s32 $0xE00, s23;
	[dreg:$0xb] =	wrdreg s16  }
0xb: {  	s2 =	srdreg.scid;
	s18 =	sadd.s32 $0x1000, s23;
	[dreg:$0xc] =	wrdreg s17  }
0xc: {  	s1 =	stileid.u32;
	s19 =	sadd.s32 $0x1200, s23;
	[dreg:$0xd] =	wrdreg s18  }
0xd: {  	s2 =	sand.u32 $0x1, s2;
	s21 =	sadd.s32 $0x1400, s23;
	[dreg:$0xe] =	wrdreg s19  }
0xe: {  	s5 =	sshll.u32 s1, $0x1;
	s22 =	sadd.s32 $0x1600, s23;
	[dreg:$0xf] =	wrdreg s21  }
0xf: {  	s24 =	sadd.s32 $0x1800, s23;
	s25 =	sadd.s32 $0x1A00, s23;
	[dreg:$0x10] =	wrdreg s22  }
0x10: {  	s26 =	sadd.s32 $0x1C00, s23;
	s29 =	sadd.s32 $0x1E00, s23;
	[dreg:$0x11] =	wrdreg s24  }
0x11: {  	s5 =	sor.u32 s2, s5;
	s3 =	ssub.s32 $0x2, s2;
	[dreg:$0x12] =	wrdreg s25  }
0x12: {  	s19 =	sshll.u32 s1, $0x13;
	s2 =	sshll.u32 s2, $0x12;
	[dreg:$0x13] =	wrdreg s26  }
0x13: {  	[dreg:$0x14] =	wrdreg s29;
	s6 =	sshll.u32 s5, $0xA;
	s7 =	sshll.u32 s5, $0x5  }
0x14: {  	s8 =	sshll.u32 s5, $0x4;
	s31 =	sshrl.u32 s3, $0x1;
	s5 =	sshll.u32 s5, $0x12  }
0x15: {  	s21 =	sadd.s32 s19, s4;
	s6 =	sadd.s32 s6, s0;
	s28 =	sadd.s32 s4, s5  }
0x16: {  	s7 =	sadd.s32 s7, s0;
	s6 =	sadd.s32 $0x600, s6;
	[dreg:$0x19] =	wrdreg s28  }
0x17: {  	s22 =	sadd.s32 s2, s21;
	s10 =	sadd.s32 $0x8600, s7;
	[dreg:$0x17] =	wrdreg s6  }
0x18: {  	s0 =	sadd.s32 s8, s0;
	s30 =	sadd.s32 $0x40, s22;
	[dreg:$0x18] =	wrdreg s10  }
0x19: {  	s20 =	ssub.s32 s3, s31;
	s1 =	sadd.s32 $0x3E040, s28;
	[dreg:$0x4] =	wrdreg s30  }
0x1a: {  	s2 =	sor.u32 s2, s19;
	s0 =	sadd.s32 $0x8A00, s0;
	[dreg:$0x1a] =	wrdreg s1  }
0x1b: {  	v0 =	vlaneseq.u32;
	s2 =	sadd.s32 s2, s4;
	s31 =	smax.u32 s20, $0x1;
	[dreg:$0x1b] =	wrdreg s0  }
0x1c: {  	v2 =	vshrl.u32 v0, $0x2;
	s2 =	sadd.s32 $0x2000, s2;
	[dreg:$0x1c] =	wrdreg s31  }
0x1d: {  	vm0 =	vmmov $0xffff;
	v1 =	vand.u32 $0x3, v0;
	v2 =	vmul.u32 $0x8, v2;
	s1 =	simm.s32 $0x5;
	[dreg:$0x5] =	wrdreg s2;
	s2 =	simm.s32 $0x0  }
.LBB2_1:
0x1e: {  	[dreg:$0x1d] =	wrdreg s2  }
0x1f: {  	s0 =	rddreg [dreg:$0x17]  }
0x20: {  	[tilespmem:s9], [sflag:$0x5] =	stream.linear.gather [hbm4b:s0+s9], $0x2000, $0x38;
	[tilespmem:$0x12200] =	vst v63  }
0x21: {  	_ =	swait.ge [sflag:s1], $0x2000  }
0x22: {  	[sflag:s1] =	ssyncset.done $0x0  }
0x23: {  	s5 =	simm.s32 $0x2000;
	s4 =	rddreg [dreg:$0x18];
	[sflag:s1] =	ssyncadd.s32 $0xFFFFE000  }
0x24: {  	[tilespmem:s5], [sflag:$0x5] =	stream.linear.gather [hbm4b:s4+s9], $0x100, $0x38;
	[tilespmem:$0x12200] =	vst v63  }
0x25: {  	_ =	swait.ge [sflag:s1], $0x100  }
0x26: {  	[sflag:s1] =	ssyncset.done $0x0  }
0x27: {  	[sflag:s1] =	ssyncadd.s32 $0xFFFFFF00  }
0x28: {  	v3 =	vld.msk [tilespmem:$0x0], $0xf;
	_ =	sdelay $0x4  }
0x29: {  	v4 =	vshll.u32 v3, $0x6  }
0x2a: {  	v3 =	vand.u32 $0x7, v3;
	v4 =	vand.u32 $0xFFFFFE00, v4  }
0x2b: {  	v3 =	vor.u32 v3, v4  }
0x2c: {  	v3 =	vperm.xlane v3, v1;
	_ =	sdelay $0x1  }
0x2d: {  	v3 =	vadd.s32 v2, v3;
	_ =	sdelay $0x3  }
0x2e: {  	s28 =	simm.s32 $0x2180;
	s31 =	rddreg [dreg:$0x0]  }
0x2f: {  	[tilespmem:s28], [sflag:$0x1] =	stream.indirect_vreg.gather [hbm4b:s31+s9], $0x80, v3, vm0, $0xb8;
	[tilespmem:$0x12200] =	vst v63  }
0x30: {  	s6 =	simm.s32 $0x2980;
	s1 =	rddreg [dreg:$0x6]  }
0x31: {  	[tilespmem:s6], [sflag:$0x1] =	stream.indirect_vreg.gather [hbm4b:s1+s9], $0x80, v3, vm0, $0xb8;
	[tilespmem:$0x12200] =	vst v63  }
0x32: {  	s7 =	simm.s32 $0x3180;
	s2 =	rddreg [dreg:$0x7]  }
0x33: {  	[tilespmem:s7], [sflag:$0x1] =	stream.indirect_vreg.gather [hbm4b:s2+s9], $0x80, v3, vm0, $0xb8;
	[tilespmem:$0x12200] =	vst v63  }
0x34: {  	s24 =	simm.s32 $0x3980;
	s6 =	rddreg [dreg:$0x8]  }
0x35: {  	[tilespmem:s24], [sflag:$0x1] =	stream.indirect_vreg.gather [hbm4b:s6+s9], $0x80, v3, vm0, $0xb8;
	[tilespmem:$0x12200] =	vst v63  }
0x36: {  	s8 =	simm.s32 $0x4180;
	s7 =	rddreg [dreg:$0x9]  }
0x37: {  	[tilespmem:s8], [sflag:$0x1] =	stream.indirect_vreg.gather [hbm4b:s7+s9], $0x80, v3, vm0, $0xb8;
	[tilespmem:$0x12200] =	vst v63  }
0x38: {  	s10 =	simm.s32 $0x4980;
	s8 =	rddreg [dreg:$0xa]  }
0x39: {  	[tilespmem:s10], [sflag:$0x1] =	stream.indirect_vreg.gather [hbm4b:s8+s9], $0x80, v3, vm0, $0xb8;
	[tilespmem:$0x12200] =	vst v63  }
0x3a: {  	s11 =	simm.s32 $0x5180;
	s3 =	rddreg [dreg:$0xb]  }
0x3b: {  	[tilespmem:s11], [sflag:$0x1] =	stream.indirect_vreg.gather [hbm4b:s3+s9], $0x80, v3, vm0, $0xb8;
	[tilespmem:$0x12200] =	vst v63  }
0x3c: {  	s12 =	simm.s32 $0x5980;
	s10 =	rddreg [dreg:$0xc]  }
0x3d: {  	[tilespmem:s12], [sflag:$0x1] =	stream.indirect_vreg.gather [hbm4b:s10+s9], $0x80, v3, vm0, $0xb8;
	[tilespmem:$0x12200] =	vst v63  }
0x3e: {  	s13 =	simm.s32 $0x6180;
	s11 =	rddreg [dreg:$0xd]  }
0x3f: {  	[tilespmem:s13], [sflag:$0x1] =	stream.indirect_vreg.gather [hbm4b:s11+s9], $0x80, v3, vm0, $0xb8;
	[tilespmem:$0x12200] =	vst v63  }
0x40: {  	s14 =	simm.s32 $0x6980;
	s12 =	rddreg [dreg:$0xe]  }
0x41: {  	[tilespmem:s14], [sflag:$0x1] =	stream.indirect_vreg.gather [hbm4b:s12+s9], $0x80, v3, vm0, $0xb8;
	[tilespmem:$0x12200] =	vst v63  }
0x42: {  	s15 =	simm.s32 $0x7180;
	s13 =	rddreg [dreg:$0xf]  }
0x43: {  	[tilespmem:s15], [sflag:$0x1] =	stream.indirect_vreg.gather [hbm4b:s13+s9], $0x80, v3, vm0, $0xb8;
	[tilespmem:$0x12200] =	vst v63  }
0x44: {  	s16 =	simm.s32 $0x7980;
	s14 =	rddreg [dreg:$0x10]  }
0x45: {  	[tilespmem:s16], [sflag:$0x1] =	stream.indirect_vreg.gather [hbm4b:s14+s9], $0x80, v3, vm0, $0xb8;
	[tilespmem:$0x12200] =	vst v63  }
0x46: {  	s17 =	simm.s32 $0x8180;
	s15 =	rddreg [dreg:$0x11]  }
0x47: {  	[tilespmem:s17], [sflag:$0x1] =	stream.indirect_vreg.gather [hbm4b:s15+s9], $0x80, v3, vm0, $0xb8;
	[tilespmem:$0x12200] =	vst v63  }
0x48: {  	s18 =	simm.s32 $0x8980;
	s16 =	rddreg [dreg:$0x12]  }
0x49: {  	[tilespmem:s18], [sflag:$0x1] =	stream.indirect_vreg.gather [hbm4b:s16+s9], $0x80, v3, vm0, $0xb8;
	[tilespmem:$0x12200] =	vst v63  }
0x4a: {  	s19 =	simm.s32 $0x9180;
	s17 =	rddreg [dreg:$0x13]  }
0x4b: {  	[tilespmem:s19], [sflag:$0x1] =	stream.indirect_vreg.gather [hbm4b:s17+s9], $0x80, v3, vm0, $0xb8;
	[tilespmem:$0x12200] =	vst v63  }
0x4c: {  	s20 =	simm.s32 $0x9980;
	s25 =	simm.s32 $0x1;
	s18 =	rddreg [dreg:$0x14]  }
0x4d: {  	[tilespmem:s20], [sflag:$0x1] =	stream.indirect_vreg.gather [hbm4b:s18+s9], $0x80, v3, vm0, $0xb8;
	[tilespmem:$0x12200] =	vst v63  }
0x4e: {  	_ =	swait.ge [sflag:s25], $0x8000  }
0x4f: {  	s21 =	simm.s32 $0x200;
	[sflag:s25] =	ssyncset.done $0x0  }
0x50: {  	s5 =	simm.s32 $0x400;
	s4 =	rddreg [dreg:$0x19];
	[sflag:s25] =	ssyncadd.s32 $0xFFFF8000  }
0x51: {  	[hbm4b:s4+s21] =	stream.strided.scatter [tilespmem:s28], [sflag:$0x3], $0x8000, s5, s21, $0x38;
	[tilespmem:$0x12200] =	vst v63  }
0x52: {  	v3 =	vld.msk [tilespmem:$0x80], $0xf;
	_ =	sdelay $0x4  }
0x53: {  	v4 =	vshll.u32 v3, $0x6  }
0x54: {  	v3 =	vand.u32 $0x7, v3;
	v4 =	vand.u32 $0xFFFFFE00, v4  }
0x55: {  	v3 =	vor.u32 v3, v4  }
0x56: {  	v3 =	vperm.xlane v3, v1;
	_ =	sdelay $0x1  }
0x57: {  	v3 =	vadd.s32 v2, v3;
	_ =	sdelay $0x3  }
0x58: {  	s22 =	simm.s32 $0xA180  }
0x59: {  	[tilespmem:s22], [sflag:$0x2] =	stream.indirect_vreg.gather [hbm4b:s31+s9], $0x80, v3, vm0, $0xb8;
	[tilespmem:$0x12200] =	vst v63  }
0x5a: {  	s23 =	simm.s32 $0xA980  }
0x5b: {  	[tilespmem:s23], [sflag:$0x2] =	stream.indirect_vreg.gather [hbm4b:s1+s9], $0x80, v3, vm0, $0xb8;
	[tilespmem:$0x12200] =	vst v63  }
0x5c: {  	s26 =	simm.s32 $0xB180  }
0x5d: {  	[tilespmem:s26], [sflag:$0x2] =	stream.indirect_vreg.gather [hbm4b:s2+s9], $0x80, v3, vm0, $0xb8;
	[tilespmem:$0x12200] =	vst v63  }
0x5e: {  	s30 =	simm.s32 $0xB980  }
0x5f: {  	[tilespmem:s30], [sflag:$0x2] =	stream.indirect_vreg.gather [hbm4b:s6+s9], $0x80, v3, vm0, $0xb8;
	[tilespmem:$0x12200] =	vst v63  }
0x60: {  	s0 =	simm.s32 $0xC180  }
0x61: {  	[tilespmem:s0], [sflag:$0x2] =	stream.indirect_vreg.gather [hbm4b:s7+s9], $0x80, v3, vm0, $0xb8;
	[tilespmem:$0x12200] =	vst v63  }
0x62: {  	s5 =	simm.s32 $0xC980  }
0x63: {  	[tilespmem:s5], [sflag:$0x2] =	stream.indirect_vreg.gather [hbm4b:s8+s9], $0x80, v3, vm0, $0xb8;
	[tilespmem:$0x12200] =	vst v63  }
0x64: {  	s20 =	simm.s32 $0xD180  }
0x65: {  	[tilespmem:s20], [sflag:$0x2] =	stream.indirect_vreg.gather [hbm4b:s3+s9], $0x80, v3, vm0, $0xb8;
	[tilespmem:$0x12200] =	vst v63  }
0x66: {  	s21 =	simm.s32 $0xD980  }
0x67: {  	[tilespmem:s21], [sflag:$0x2] =	stream.indirect_vreg.gather [hbm4b:s10+s9], $0x80, v3, vm0, $0xb8;
	[tilespmem:$0x12200] =	vst v63  }
0x68: {  	s22 =	simm.s32 $0xE180  }
0x69: {  	[tilespmem:s22], [sflag:$0x2] =	stream.indirect_vreg.gather [hbm4b:s11+s9], $0x80, v3, vm0, $0xb8;
	[tilespmem:$0x12200] =	vst v63  }
0x6a: {  	s23 =	simm.s32 $0xE980  }
0x6b: {  	[tilespmem:s23], [sflag:$0x2] =	stream.indirect_vreg.gather [hbm4b:s12+s9], $0x80, v3, vm0, $0xb8;
	[tilespmem:$0x12200] =	vst v63  }
0x6c: {  	s26 =	simm.s32 $0xF180  }
0x6d: {  	[tilespmem:s26], [sflag:$0x2] =	stream.indirect_vreg.gather [hbm4b:s13+s9], $0x80, v3, vm0, $0xb8;
	[tilespmem:$0x12200] =	vst v63  }
0x6e: {  	s30 =	simm.s32 $0xF980  }
0x6f: {  	[tilespmem:s30], [sflag:$0x2] =	stream.indirect_vreg.gather [hbm4b:s14+s9], $0x80, v3, vm0, $0xb8;
	[tilespmem:$0x12200] =	vst v63  }
0x70: {  	s0 =	simm.s32 $0x10180  }
0x71: {  	[tilespmem:s0], [sflag:$0x2] =	stream.indirect_vreg.gather [hbm4b:s15+s9], $0x80, v3, vm0, $0xb8;
	[tilespmem:$0x12200] =	vst v63  }
0x72: {  	s5 =	simm.s32 $0x10980  }
0x73: {  	[tilespmem:s5], [sflag:$0x2] =	stream.indirect_vreg.gather [hbm4b:s16+s9], $0x80, v3, vm0, $0xb8;
	[tilespmem:$0x12200] =	vst v63  }
0x74: {  	s20 =	simm.s32 $0x11180  }
0x75: {  	[tilespmem:s20], [sflag:$0x2] =	stream.indirect_vreg.gather [hbm4b:s17+s9], $0x80, v3, vm0, $0xb8;
	[tilespmem:$0x12200] =	vst v63  }
0x76: {  	s21 =	simm.s32 $0x11980  }
0x77: {  	[tilespmem:s21], [sflag:$0x2] =	stream.indirect_vreg.gather [hbm4b:s18+s9], $0x80, v3, vm0, $0xb8;
	[tilespmem:$0x12200] =	vst v63  }
0x78: {  	v3 =	vld [tilespmem:$0x2000];
	_ =	sdelay $0x4  }
0x79: {  	(v2sf) =	vpush v3, $0x0;
	_ =	sdelay $0x1  }
0x7a: {  	(v2sf) =	vpush v3, $0x1;
	_ =	sdelay $0x1  }
0x7b: {  	(v2sf) =	vpush v3, $0x2  }
0x7c: {  	(v2sf) =	vpush v3, $0x3;
	_ =	sdelay $0x9  }
0x7d: {  	s22 =	spop (v2sf)  }
0x7e: {  	[smem:$0x7FD] =	sst s22  }
0x7f: {  	s23 =	sshll.u32 s22, $0x2;
	s26 =	sand.u32 $0x70, s22;
	s30 =	spop (v2sf)  }
0x80: {  	s4 =	sand.u32 $0xFFFFFE00, s23;
	s0 =	sshll.u32 s30, $0x2;
	s22 =	sand.u32 $0x70, s30  }
0x81: {  	s29 =	spop (v2sf);
	s4 =	sor.u32 s26, s4;
	s5 =	sand.u32 $0xFFFFFE00, s0  }
0x82: {  	s20 =	sshll.u32 s29, $0x2;
	s26 =	spop (v2sf);
	s21 =	sand.u32 $0x70, s29  }
0x83: {  	s5 =	sor.u32 s22, s5;
	v4 =	vld [tilespmem:s4+$0x2180];
	s22 =	sand.u32 $0xFFFFFE00, s20;
	s23 =	sshll.u32 s26, $0x2  }
0x84: {  	v5 =	vld [tilespmem:s5+$0x2200];
	s4 =	sor.u32 s21, s22;
	s22 =	sand.u32 $0x70, s26;
	s23 =	sand.u32 $0xFFFFFE00, s23  }
0x85: {  	v6 =	vld [tilespmem:s4+$0x2280];
	s0 =	sor.u32 s22, s23;
	s4 =	simm.s32 $0x2  }
0x86: {  	s19 =	simm.s32 $0xA180;
	s21 =	simm.s32 $0x400;
	v7 =	vld [tilespmem:s0+$0x2300];
	_ =	swait.ge [sflag:s4], $0x8000  }
0x87: {  	s22 =	simm.s32 $0x200;
	s20 =	rddreg [dreg:$0x4];
	[sflag:s4] =	ssyncset.done $0x0  }
0x88: {  	s23 =	simm.s32 $0x3;
	[sflag:s4] =	ssyncadd.s32 $0xFFFF8000;
	s4 =	sadd.s32 $0x0, s20  }
0x89: {  	[hbm4b:s4+s22] =	stream.strided.scatter [tilespmem:s19], [sflag:$0x4], $0x8000, s21, s22, $0x38;
	[tilespmem:$0x12200] =	vst v63  }
0x8a: {  	_ =	swait.ge [sflag:s23], $0x8000  }
0x8b: {  	[sflag:s23] =	ssyncset.done $0x0  }
0x8c: {  	s0 =	simm.s32 $0x180;
	[sflag:s23] =	ssyncadd.s32 $0xFFFF8000  }
0x8d: {  	v3 =	vld.msk [tilespmem:s0+$0xFFFFFF80], $0xf;
	_ =	sdelay $0x4  }
0x8e: {  	v8 =	vshll.u32 v3, $0x6  }
0x8f: {  	v3 =	vand.u32 $0x7, v3;
	v8 =	vand.u32 $0xFFFFFE00, v8  }
0x90: {  	v3 =	vor.u32 v3, v8  }
0x91: {  	v3 =	vperm.xlane v3, v1;
	_ =	sdelay $0x1  }
0x92: {  	v3 =	vadd.s32 v2, v3;
	_ =	sdelay $0x4  }
0x93: {  	[tilespmem:s28], [sflag:$0x1] =	stream.indirect_vreg.gather [hbm4b:s31+s9], $0x80, v3, vm0, $0xb8;
	[tilespmem:$0x12200] =	vst v63  }
0x94: {  	s5 =	simm.s32 $0x2980  }
0x95: {  	[tilespmem:s5], [sflag:$0x1] =	stream.indirect_vreg.gather [hbm4b:s1+s9], $0x80, v3, vm0, $0xb8;
	[tilespmem:$0x12200] =	vst v63  }
0x96: {  	s19 =	simm.s32 $0x3180  }
0x97: {  	[tilespmem:s19], [sflag:$0x1] =	stream.indirect_vreg.gather [hbm4b:s2+s9], $0x80, v3, vm0, $0xb8;
	[tilespmem:$0x12200] =	vst v63  }
0x98: {  	_ = 	snop  }
0x99: {  	[tilespmem:s24], [sflag:$0x1] =	stream.indirect_vreg.gather [hbm4b:s6+s9], $0x80, v3, vm0, $0xb8;
	[tilespmem:$0x12200] =	vst v63  }
0x9a: {  	s20 =	simm.s32 $0x4180  }
0x9b: {  	[tilespmem:s20], [sflag:$0x1] =	stream.indirect_vreg.gather [hbm4b:s7+s9], $0x80, v3, vm0, $0xb8;
	[tilespmem:$0x12200] =	vst v63  }
0x9c: {  	s21 =	simm.s32 $0x4980  }
0x9d: {  	[tilespmem:s21], [sflag:$0x1] =	stream.indirect_vreg.gather [hbm4b:s8+s9], $0x80, v3, vm0, $0xb8;
	[tilespmem:$0x12200] =	vst v63  }
0x9e: {  	s22 =	simm.s32 $0x5180  }
0x9f: {  	[tilespmem:s22], [sflag:$0x1] =	stream.indirect_vreg.gather [hbm4b:s3+s9], $0x80, v3, vm0, $0xb8;
	[tilespmem:$0x12200] =	vst v63  }
0xa0: {  	s23 =	simm.s32 $0x5980  }
0xa1: {  	[tilespmem:s23], [sflag:$0x1] =	stream.indirect_vreg.gather [hbm4b:s10+s9], $0x80, v3, vm0, $0xb8;
	[tilespmem:$0x12200] =	vst v63  }
0xa2: {  	s24 =	simm.s32 $0x6180  }
0xa3: {  	[tilespmem:s24], [sflag:$0x1] =	stream.indirect_vreg.gather [hbm4b:s11+s9], $0x80, v3, vm0, $0xb8;
	[tilespmem:$0x12200] =	vst v63  }
0xa4: {  	s0 =	simm.s32 $0x6980  }
0xa5: {  	[tilespmem:s0], [sflag:$0x1] =	stream.indirect_vreg.gather [hbm4b:s12+s9], $0x80, v3, vm0, $0xb8;
	[tilespmem:$0x12200] =	vst v63  }
0xa6: {  	s5 =	simm.s32 $0x7180  }
0xa7: {  	[tilespmem:s5], [sflag:$0x1] =	stream.indirect_vreg.gather [hbm4b:s13+s9], $0x80, v3, vm0, $0xb8;
	[tilespmem:$0x12200] =	vst v63  }
0xa8: {  	s19 =	simm.s32 $0x7980  }
0xa9: {  	[tilespmem:s19], [sflag:$0x1] =	stream.indirect_vreg.gather [hbm4b:s14+s9], $0x80, v3, vm0, $0xb8;
	[tilespmem:$0x12200] =	vst v63  }
0xaa: {  	s20 =	simm.s32 $0x8180  }
0xab: {  	[tilespmem:s20], [sflag:$0x1] =	stream.indirect_vreg.gather [hbm4b:s15+s9], $0x80, v3, vm0, $0xb8;
	[tilespmem:$0x12200] =	vst v63  }
0xac: {  	s21 =	simm.s32 $0x8980  }
0xad: {  	[tilespmem:s21], [sflag:$0x1] =	stream.indirect_vreg.gather [hbm4b:s16+s9], $0x80, v3, vm0, $0xb8;
	[tilespmem:$0x12200] =	vst v63  }
0xae: {  	s22 =	simm.s32 $0x9180  }
0xaf: {  	[tilespmem:s22], [sflag:$0x1] =	stream.indirect_vreg.gather [hbm4b:s17+s9], $0x80, v3, vm0, $0xb8;
	[tilespmem:$0x12200] =	vst v63  }
0xb0: {  	s23 =	simm.s32 $0x9980;
	s5 =	simm.s32 $0x2008  }
0xb1: {  	[tilespmem:s23], [sflag:$0x1] =	stream.indirect_vreg.gather [hbm4b:s18+s9], $0x80, v3, vm0, $0xb8;
	[tilespmem:$0x12200] =	vst v63  }
0xb2: {  	v3 =	vld [tilespmem:s5+$0xFFFFFFF8];
	_ =	sdelay $0x4  }
0xb3: {  	(v2sf) =	vpush v3, $0x7  }
0xb4: {  	(v2sf) =	vpush v3, $0x6  }
0xb5: {  	(v2sf) =	vpush v3, $0x5;
	_ =	sdelay $0x1  }
0xb6: {  	(v2sf) =	vpush v3, $0x4;
	_ =	sdelay $0xa  }
0xb7: {  	s4 =	spop (v2sf)  }
0xb8: {  	s19 =	spop (v2sf)  }
0xb9: {  	s20 =	spop (v2sf)  }
0xba: {  	s21 =	sand.u32 $0x70, s20  }
0xbb: {  	s0 =	spop (v2sf);
	s24 =	sshll.u32 s20, $0x2;
	[smem:$0x7FB] =	sst s21  }
0xbc: {  	s21 =	smov.u32 s20;
	s23 =	sshll.u32 s0, $0x2;
	s22 =	sand.u32 $0xFFFFFE00, s24  }
0xbd: {  	s24 =	sand.u32 $0x70, s0;
	s20 =	smov.u32 s0;
	s0 =	sld [smem:$0x7FB]  }
0xbe: {  	_ =	sdelay $0x1  }
0xbf: {  	s23 =	sand.u32 $0xFFFFFE00, s23;
	s22 =	sor.u32 s0, s22  }
0xc0: {  	s23 =	sor.u32 s24, s23;
	s0 =	sshll.u32 s4, $0x2;
	v61 =	vld [tilespmem:s22+$0xA200];
	s22 =	sshll.u32 s19, $0x2  }
0xc1: {  	s24 =	sand.u32 $0x70, s4;
	s0 =	sand.u32 $0xFFFFFE00, s0;
	[smem:$0x7FC] =	sst s22  }
0xc2: {  	s22 =	sor.u32 s24, s0;
	s24 =	sld [smem:$0x7FC];
	_ =	sdelay $0x2  }
0xc3: {  	v9 =	vld [tilespmem:s23+$0xA180];
	s23 =	sand.u32 $0x70, s19;
	s0 =	sand.u32 $0xFFFFFE00, s24  }
0xc4: {  	v3 =	vld [tilespmem:s22+$0xA300];
	s23 =	sor.u32 s23, s0  }
0xc5: {  	v10 =	vld [tilespmem:s23+$0xA280];
	_ =	swait.ge [sflag:s25], $0x8000  }
0xc6: {  	s24 =	simm.s32 $0x200;
	s23 =	rddreg [dreg:$0x5];
	[sflag:s25] =	ssyncset.done $0x0  }
0xc7: {  	[sflag:s25] =	ssyncadd.s32 $0xFFFF8000;
	s22 =	sadd.s32 $0x0, s23;
	s25 =	simm.s32 $0x400  }
0xc8: {  	[hbm4b:s22+s24] =	stream.strided.scatter [tilespmem:s28], [sflag:$0x3], $0x8000, s25, s24, $0x38;
	[tilespmem:$0x12200] =	vst v63  }
0xc9: {  	s28 =	simm.s32 $0x4  }
0xca: {  	_ =	swait.ge [sflag:s28], $0x8000  }
0xcb: {  	[sflag:s28] =	ssyncset.done $0x0  }
0xcc: {  	s25 =	simm.s32 $0x180;
	[sflag:s28] =	ssyncadd.s32 $0xFFFF8000  }
0xcd: {  	v11 =	vld.msk [tilespmem:s25+$0x0], $0xf;
	_ =	sdelay $0x4  }
0xce: {  	v12 =	vshll.u32 v11, $0x6  }
0xcf: {  	v11 =	vand.u32 $0x7, v11;
	v12 =	vand.u32 $0xFFFFFE00, v12  }
0xd0: {  	v11 =	vor.u32 v11, v12  }
0xd1: {  	v11 =	vperm.xlane v11, v1;
	_ =	sdelay $0x1  }
0xd2: {  	v11 =	vadd.s32 v2, v11;
	_ =	sdelay $0x3  }
0xd3: {  	s22 =	simm.s32 $0xA180  }
0xd4: {  	[tilespmem:s22], [sflag:$0x2] =	stream.indirect_vreg.gather [hbm4b:s31+s9], $0x80, v11, vm0, $0xb8;
	[tilespmem:$0x12200] =	vst v63  }
0xd5: {  	s23 =	simm.s32 $0xA980  }
0xd6: {  	[tilespmem:s23], [sflag:$0x2] =	stream.indirect_vreg.gather [hbm4b:s1+s9], $0x80, v11, vm0, $0xb8;
	[tilespmem:$0x12200] =	vst v63  }
0xd7: {  	s24 =	simm.s32 $0xB180  }
0xd8: {  	[tilespmem:s24], [sflag:$0x2] =	stream.indirect_vreg.gather [hbm4b:s2+s9], $0x80, v11, vm0, $0xb8;
	[tilespmem:$0x12200] =	vst v63  }
0xd9: {  	s28 =	simm.s32 $0xB980  }
0xda: {  	[tilespmem:s28], [sflag:$0x2] =	stream.indirect_vreg.gather [hbm4b:s6+s9], $0x80, v11, vm0, $0xb8;
	[tilespmem:$0x12200] =	vst v63  }
0xdb: {  	s31 =	simm.s32 $0xC180  }
0xdc: {  	[tilespmem:s31], [sflag:$0x2] =	stream.indirect_vreg.gather [hbm4b:s7+s9], $0x80, v11, vm0, $0xb8;
	[tilespmem:$0x12200] =	vst v63  }
0xdd: {  	s1 =	simm.s32 $0xC980  }
0xde: {  	[tilespmem:s1], [sflag:$0x2] =	stream.indirect_vreg.gather [hbm4b:s8+s9], $0x80, v11, vm0, $0xb8;
	[tilespmem:$0x12200] =	vst v63  }
0xdf: {  	s2 =	simm.s32 $0xD180  }
0xe0: {  	[tilespmem:s2], [sflag:$0x2] =	stream.indirect_vreg.gather [hbm4b:s3+s9], $0x80, v11, vm0, $0xb8;
	[tilespmem:$0x12200] =	vst v63  }
0xe1: {  	s3 =	simm.s32 $0xD980  }
0xe2: {  	[tilespmem:s3], [sflag:$0x2] =	stream.indirect_vreg.gather [hbm4b:s10+s9], $0x80, v11, vm0, $0xb8;
	[tilespmem:$0x12200] =	vst v63  }
0xe3: {  	s6 =	simm.s32 $0xE180  }
0xe4: {  	[tilespmem:s6], [sflag:$0x2] =	stream.indirect_vreg.gather [hbm4b:s11+s9], $0x80, v11, vm0, $0xb8;
	[tilespmem:$0x12200] =	vst v63  }
0xe5: {  	s7 =	simm.s32 $0xE980  }
0xe6: {  	[tilespmem:s7], [sflag:$0x2] =	stream.indirect_vreg.gather [hbm4b:s12+s9], $0x80, v11, vm0, $0xb8;
	[tilespmem:$0x12200] =	vst v63  }
0xe7: {  	s8 =	simm.s32 $0xF180  }
0xe8: {  	[tilespmem:s8], [sflag:$0x2] =	stream.indirect_vreg.gather [hbm4b:s13+s9], $0x80, v11, vm0, $0xb8;
	[tilespmem:$0x12200] =	vst v63  }
0xe9: {  	s10 =	simm.s32 $0xF980;
	s12 =	sld [smem:$0x7FD]  }
0xea: {  	[tilespmem:s10], [sflag:$0x2] =	stream.indirect_vreg.gather [hbm4b:s14+s9], $0x80, v11, vm0, $0xb8;
	[tilespmem:$0x12200] =	vst v63  }
0xeb: {  	s11 =	simm.s32 $0x10180  }
0xec: {  	[tilespmem:s11], [sflag:$0x2] =	stream.indirect_vreg.gather [hbm4b:s15+s9], $0x80, v11, vm0, $0xb8;
	[tilespmem:$0x12200] =	vst v63  }
0xed: {  	s13 =	sand.u32 $0xF, s12;
	s14 =	sand.u32 $0xF, s30;
	s15 =	simm.s32 $0x10980  }
0xee: {  	v4 =	vadd.f32 $0.0e+00, v4;
	v62 =	vmov s13;
	v13 =	vmov s14;
	[tilespmem:s15], [sflag:$0x2] =	stream.indirect_vreg.gather [hbm4b:s16+s9], $0x80, v11, vm0, $0xb8;
	[tilespmem:$0x12200] =	vst v63  }
0xef: {  	s22 =	simm.s32 $0x11180;
	vm1 =	veq.s32 v62, v0;
	vm2 =	veq.s32 v13, v0;
	s16 =	sand.u32 $0xF, s29  }
0xf0: {  	v4 =	vnsel vm1, $0x0, v4;
	v5 =	vnsel vm2, $0x0, v5;
	v63 =	vmov s16;
	[tilespmem:s22], [sflag:$0x2] =	stream.indirect_vreg.gather [hbm4b:s17+s9], $0x80, v11, vm0, $0xb8;
	[tilespmem:$0x12200] =	vst v63  }
0xf1: {  	s23 =	sand.u32 $0xF, s26;
	s24 =	simm.s32 $0x11980;
	v4 =	vadd.f32 v5, v4;
	vm1 =	veq.s32 v63, v0  }
0xf2: {  	v5 =	vmov s23;
	v6 =	vnsel vm1, $0x0, v6;
	[tilespmem:s24], [sflag:$0x2] =	stream.indirect_vreg.gather [hbm4b:s18+s9], $0x80, v11, vm0, $0xb8;
	[tilespmem:$0x12200] =	vst v63  }
0xf3: {  	s26 =	sand.u32 $0xF, s20;
	vm1 =	veq.s32 v5, v0;
	v4 =	vadd.f32 v4, v6;
	v6 =	vld [tilespmem:s5+$0x0]  }
0xf4: {  	v5 =	vmov s26;
	v7 =	vnsel vm1, $0x0, v7  }
0xf5: {  	s28 =	sand.u32 $0xF, s21;
	vm1 =	veq.s32 v5, v0;
	v4 =	vadd.f32 v4, v7  }
0xf6: {  	v5 =	vmov s28;
	v7 =	vnsel vm1, $0x0, v9  }
0xf7: {  	s30 =	sand.u32 $0xF, s19;
	vm1 =	veq.s32 v5, v0;
	v4 =	vadd.f32 v7, v4  }
0xf8: {  	v5 =	vmov s30;
	v7 =	vnsel vm1, $0x0, v61;
	(v2sf) =	vpush v6, $0x1  }
0xf9: {  	vm1 =	veq.s32 v5, v0;
	v7 =	vadd.f32 v4, v7;
	(v2sf) =	vpush v6, $0x3  }
0xfa: {  	s31 =	sand.u32 $0xF, s4;
	v5 =	vnsel vm1, $0x0, v10;
	(v2sf) =	vpush v6, $0x0  }
0xfb: {  	s29 =	simm.s32 $0x2000;
	s23 =	simm.s32 $0x4000;
	v4 =	vmov s31;
	v5 =	vadd.f32 v7, v5;
	(v2sf) =	vpush v6, $0x2  }
.LBB2_2:
0xfc: {  	_ =	sdelay $0x8  }
0xfd: {  	s25 =	sadd.s32 $0x100, s25  }
0xfe: {  	s0 =	smov.u32 s23;
	[dreg:$0x15] =	wrdreg s25  }
0xff: {  	[dreg:$0x16] =	wrdreg s0;
	s20 =	spop (v2sf)  }
0x100: {  	s1 =	sand.u32 $0x70, s20;
	s28 =	sshll.u32 s20, $0x2;
	s2 =	spop (v2sf)  }
0x101: {  	s28 =	sand.u32 $0xFFFFFE00, s28;
	s30 =	sshll.u32 s2, $0x2;
	s26 =	spop (v2sf)  }
0x102: {  	s7 =	sand.u32 $0x70, s2;
	s31 =	sand.u32 $0x70, s26;
	s3 =	sshll.u32 s26, $0x2  }
0x103: {  	s1 =	sor.u32 s1, s28;
	s0 =	sand.u32 $0xFFFFFE00, s30;
	s4 =	spop (v2sf)  }
0x104: {  	s25 =	sand.u32 $0xFFFFFE00, s3;
	v6 =	vld [tilespmem:s1+$0x2200];
	s6 =	sshll.u32 s4, $0x2;
	s0 =	sor.u32 s7, s0  }
0x105: {  	s8 =	sand.u32 $0x70, s4;
	s25 =	sor.u32 s31, s25;
	s28 =	sand.u32 $0xFFFFFE00, s6;
	v7 =	vld [tilespmem:s0+$0x2300]  }
0x106: {  	vm1 =	veq.s32 v4, v0;
	s12 =	simm.s32 $0x2;
	s14 =	simm.s32 $0x400;
	v4 =	vld [tilespmem:s25+$0x2180];
	s25 =	sor.u32 s8, s28  }
0x107: {  	s15 =	simm.s32 $0xA180;
	s16 =	simm.s32 $0x3;
	v8 =	vld [tilespmem:s25+$0x2280];
	_ =	swait.ge [sflag:s12], $0x8000  }
0x108: {  	s26 =	sand.u32 $0xF, s26;
	[sflag:s12] =	ssyncset.done $0x0;
	s13 =	rddreg [dreg:$0x4]  }
0x109: {  	v3 =	vnsel vm1, $0x0, v3;
	s3 =	simm.s32 $0x200;
	[sflag:s12] =	ssyncadd.s32 $0xFFFF8000;
	s0 =	sadd.s32 s29, s13  }
0x10a: {  	v3 =	vadd.f32 v5, v3;
	v5 =	vmov s26;
	[hbm4b:s0+s3] =	stream.strided.scatter [tilespmem:s15], [sflag:$0x4], $0x8000, s14, s3, $0x38;
	[tilespmem:$0x12200] =	vst v63  }
0x10b: {  	s10 =	sand.u32 $0xF, s20;
	vm1 =	veq.s32 v5, v0;
	_ =	swait.ge [sflag:s16], $0x8000  }
0x10c: {  	v5 =	vmov s10;
	v4 =	vnsel vm1, $0x0, v4;
	[sflag:s16] =	ssyncset.done $0x0  }
0x10d: {  	s1 =	sand.u32 $0xF, s4;
	vm1 =	veq.s32 v5, v0;
	v3 =	vadd.f32 v4, v3;
	s17 =	rddreg [dreg:$0x15];
	[sflag:s16] =	ssyncadd.s32 $0xFFFF8000  }
0x10e: {  	v9 =	vmov s1;
	v4 =	vnsel vm1, $0x0, v6;
	v6 =	vld.msk [tilespmem:s17+$0xFFFFFF80], $0xf  }
0x10f: {  	s11 =	sand.u32 $0xF, s2;
	vm1 =	veq.s32 v9, v0;
	v3 =	vadd.f32 v3, v4  }
0x110: {  	v10 =	vmov s11;
	v4 =	vnsel vm1, $0x0, v8  }
0x111: {  	vm1 =	veq.s32 v10, v0;
	v3 =	vadd.f32 v3, v4  }
0x112: {  	v4 =	vnsel vm1, $0x0, v7  }
0x113: {  	v5 =	vadd.f32 v3, v4;
	v3 =	vshll.u32 v6, $0x6  }
0x114: {  	v4 =	vand.u32 $0x7, v6;
	v3 =	vand.u32 $0xFFFFFE00, v3  }
0x115: {  	v3 =	vor.u32 v4, v3  }
0x116: {  	v3 =	vperm.xlane v3, v1;
	_ =	sdelay $0x1  }
0x117: {  	v3 =	vadd.s32 v2, v3;
	_ =	sdelay $0x3  }
0x118: {  	s18 =	simm.s32 $0x2180;
	s8 =	rddreg [dreg:$0x0]  }
0x119: {  	[tilespmem:s18], [sflag:$0x1] =	stream.indirect_vreg.gather [hbm4b:s8+s9], $0x80, v3, vm0, $0xb8;
	[tilespmem:$0x12200] =	vst v63  }
0x11a: {  	s19 =	simm.s32 $0x2980;
	s8 =	rddreg [dreg:$0x6]  }
0x11b: {  	[tilespmem:s19], [sflag:$0x1] =	stream.indirect_vreg.gather [hbm4b:s8+s9], $0x80, v3, vm0, $0xb8;
	[tilespmem:$0x12200] =	vst v63  }
0x11c: {  	s20 =	simm.s32 $0x3180;
	s10 =	rddreg [dreg:$0x7]  }
0x11d: {  	[tilespmem:s20], [sflag:$0x1] =	stream.indirect_vreg.gather [hbm4b:s10+s9], $0x80, v3, vm0, $0xb8;
	[tilespmem:$0x12200] =	vst v63  }
0x11e: {  	s21 =	simm.s32 $0x3980;
	s11 =	rddreg [dreg:$0x8]  }
0x11f: {  	[tilespmem:s21], [sflag:$0x1] =	stream.indirect_vreg.gather [hbm4b:s11+s9], $0x80, v3, vm0, $0xb8;
	[tilespmem:$0x12200] =	vst v63  }
0x120: {  	s22 =	simm.s32 $0x4180;
	s12 =	rddreg [dreg:$0x9]  }
0x121: {  	[tilespmem:s22], [sflag:$0x1] =	stream.indirect_vreg.gather [hbm4b:s12+s9], $0x80, v3, vm0, $0xb8;
	[tilespmem:$0x12200] =	vst v63  }
0x122: {  	s24 =	simm.s32 $0x4980;
	s13 =	rddreg [dreg:$0xa]  }
0x123: {  	[tilespmem:s24], [sflag:$0x1] =	stream.indirect_vreg.gather [hbm4b:s13+s9], $0x80, v3, vm0, $0xb8;
	[tilespmem:$0x12200] =	vst v63  }
0x124: {  	s25 =	simm.s32 $0x5180;
	s14 =	rddreg [dreg:$0xb]  }
0x125: {  	[tilespmem:s25], [sflag:$0x1] =	stream.indirect_vreg.gather [hbm4b:s14+s9], $0x80, v3, vm0, $0xb8;
	[tilespmem:$0x12200] =	vst v63  }
0x126: {  	s26 =	simm.s32 $0x5980;
	s15 =	rddreg [dreg:$0xc]  }
0x127: {  	[tilespmem:s26], [sflag:$0x1] =	stream.indirect_vreg.gather [hbm4b:s15+s9], $0x80, v3, vm0, $0xb8;
	[tilespmem:$0x12200] =	vst v63  }
0x128: {  	s28 =	simm.s32 $0x6180;
	s16 =	rddreg [dreg:$0xd]  }
0x129: {  	[tilespmem:s28], [sflag:$0x1] =	stream.indirect_vreg.gather [hbm4b:s16+s9], $0x80, v3, vm0, $0xb8;
	[tilespmem:$0x12200] =	vst v63  }
0x12a: {  	s30 =	simm.s32 $0x6980;
	s17 =	rddreg [dreg:$0xe]  }
0x12b: {  	[tilespmem:s30], [sflag:$0x1] =	stream.indirect_vreg.gather [hbm4b:s17+s9], $0x80, v3, vm0, $0xb8;
	[tilespmem:$0x12200] =	vst v63  }
0x12c: {  	s31 =	simm.s32 $0x7180;
	s18 =	rddreg [dreg:$0xf]  }
0x12d: {  	[tilespmem:s31], [sflag:$0x1] =	stream.indirect_vreg.gather [hbm4b:s18+s9], $0x80, v3, vm0, $0xb8;
	[tilespmem:$0x12200] =	vst v63  }
0x12e: {  	s1 =	simm.s32 $0x7980;
	s19 =	rddreg [dreg:$0x10]  }
0x12f: {  	[tilespmem:s1], [sflag:$0x1] =	stream.indirect_vreg.gather [hbm4b:s19+s9], $0x80, v3, vm0, $0xb8;
	[tilespmem:$0x12200] =	vst v63  }
0x130: {  	s2 =	simm.s32 $0x8180;
	s21 =	rddreg [dreg:$0x11]  }
0x131: {  	[tilespmem:s2], [sflag:$0x1] =	stream.indirect_vreg.gather [hbm4b:s21+s9], $0x80, v3, vm0, $0xb8;
	[tilespmem:$0x12200] =	vst v63  }
0x132: {  	s3 =	simm.s32 $0x8980;
	s22 =	rddreg [dreg:$0x12]  }
0x133: {  	[tilespmem:s3], [sflag:$0x1] =	stream.indirect_vreg.gather [hbm4b:s22+s9], $0x80, v3, vm0, $0xb8;
	[tilespmem:$0x12200] =	vst v63  }
0x134: {  	s4 =	simm.s32 $0x9180;
	s24 =	rddreg [dreg:$0x13]  }
0x135: {  	[tilespmem:s4], [sflag:$0x1] =	stream.indirect_vreg.gather [hbm4b:s24+s9], $0x80, v3, vm0, $0xb8;
	[tilespmem:$0x12200] =	vst v63  }
0x136: {  	s5 =	sadd.s32 $0x8, s5;
	s6 =	simm.s32 $0x9980;
	s4 =	rddreg [dreg:$0x14]  }
0x137: {  	[tilespmem:s6], [sflag:$0x1] =	stream.indirect_vreg.gather [hbm4b:s4+s9], $0x80, v3, vm0, $0xb8;
	[tilespmem:$0x12200] =	vst v63  }
0x138: {  	v3 =	vld [tilespmem:s5+$0xFFFFFFF8];
	_ =	sdelay $0x4  }
0x139: {  	(v2sf) =	vpush v3, $0x7  }
0x13a: {  	(v2sf) =	vpush v3, $0x6  }
0x13b: {  	(v2sf) =	vpush v3, $0x5  }
0x13c: {  	(v2sf) =	vpush v3, $0x4;
	_ =	sdelay $0xb  }
0x13d: {  	s0 =	spop (v2sf)  }
0x13e: {  	s3 =	smov.u32 s5;
	s5 =	smov.u32 s29;
	s20 =	spop (v2sf)  }
0x13f: {  	s1 =	sand.u32 $0x70, s0;
	s2 =	sshll.u32 s0, $0x2;
	s28 =	spop (v2sf)  }
0x140: {  	s0 =	sand.u32 $0xF, s0;
	s25 =	sand.u32 $0x70, s20;
	s30 =	spop (v2sf)  }
0x141: {  	s7 =	sshll.u32 s20, $0x2;
	s2 =	sand.u32 $0xFFFFFE00, s2;
	s6 =	sshll.u32 s30, $0x2  }
0x142: {  	s26 =	sand.u32 $0xFFFFFE00, s7;
	s7 =	sand.u32 $0x70, s30;
	s6 =	sand.u32 $0xFFFFFE00, s6  }
0x143: {  	s31 =	sand.u32 $0x70, s28;
	s29 =	sshll.u32 s28, $0x2;
	s6 =	sor.u32 s7, s6  }
0x144: {  	s1 =	sor.u32 s1, s2;
	s2 =	simm.s32 $0x4;
	s29 =	sand.u32 $0xFFFFFE00, s29;
	v7 =	vld [tilespmem:s6+$0xA180]  }
0x145: {  	s26 =	sor.u32 s25, s26;
	s25 =	rddreg [dreg:$0x15];
	v3 =	vld [tilespmem:s1+$0xA300];
	s29 =	sor.u32 s31, s29  }
0x146: {  	s30 =	sand.u32 $0xF, s30;
	s31 =	sand.u32 $0xF, s28;
	v6 =	vld [tilespmem:s29+$0xA200];
	s7 =	simm.s32 $0x1  }
0x147: {  	v61 =	vld [tilespmem:s26+$0xA280];
	v63 =	vmov s30;
	s28 =	simm.s32 $0x400;
	s30 =	simm.s32 $0x200;
	_ =	swait.ge [sflag:s7], $0x8000  }
0x148: {  	v4 =	vmov s31;
	vm2 =	veq.s32 v63, v0;
	s6 =	sand.u32 $0xF, s20;
	s20 =	rddreg [dreg:$0x5];
	[sflag:s7] =	ssyncset.done $0x0  }
0x149: {  	s31 =	simm.s32 $0x2180;
	vm1 =	veq.s32 v4, v0;
	v4 =	vmov s0;
	[sflag:s7] =	ssyncadd.s32 $0xFFFF8000;
	s0 =	sadd.s32 s5, s20;
	v7 =	vnsel vm2, $0x0, v7  }
0x14a: {  	[hbm4b:s0+s30] =	stream.strided.scatter [tilespmem:s31], [sflag:$0x3], $0x8000, s28, s30, $0x38;
	v5 =	vadd.f32 v7, v5;
	[tilespmem:$0x12200] =	vst v63  }
0x14b: {  	v62 =	vmov s6;
	s26 =	rddreg [dreg:$0x16];
	v6 =	vnsel vm1, $0x0, v6;
	_ =	swait.ge [sflag:s2], $0x8000  }
0x14c: {  	vm1 =	veq.s32 v62, v0;
	[sflag:s2] =	ssyncset.done $0x0;
	v5 =	vadd.f32 v5, v6  }
0x14d: {  	[sflag:s2] =	ssyncadd.s32 $0xFFFF8000;
	v6 =	vnsel vm1, $0x0, v61  }
0x14e: {  	v5 =	vadd.f32 v5, v6;
	v6 =	vld.msk [tilespmem:s25+$0x0], $0xf;
	_ =	sdelay $0x4  }
0x14f: {  	v7 =	vshll.u32 v6, $0x6  }
0x150: {  	v6 =	vand.u32 $0x7, v6;
	v7 =	vand.u32 $0xFFFFFE00, v7  }
0x151: {  	v6 =	vor.u32 v6, v7  }
0x152: {  	v6 =	vperm.xlane v6, v1;
	_ =	sdelay $0x1  }
0x153: {  	v6 =	vadd.s32 v2, v6;
	_ =	sdelay $0x3  }
0x154: {  	s5 =	smov.u32 s3;
	s3 =	simm.s32 $0xA180;
	s6 =	rddreg [dreg:$0x0]  }
0x155: {  	[tilespmem:s3], [sflag:$0x2] =	stream.indirect_vreg.gather [hbm4b:s6+s9], $0x80, v6, vm0, $0xb8;
	[tilespmem:$0x12200] =	vst v63  }
0x156: {  	s7 =	simm.s32 $0xA980  }
0x157: {  	[tilespmem:s7], [sflag:$0x2] =	stream.indirect_vreg.gather [hbm4b:s8+s9], $0x80, v6, vm0, $0xb8;
	[tilespmem:$0x12200] =	vst v63  }
0x158: {  	s8 =	simm.s32 $0xB180  }
0x159: {  	[tilespmem:s8], [sflag:$0x2] =	stream.indirect_vreg.gather [hbm4b:s10+s9], $0x80, v6, vm0, $0xb8;
	[tilespmem:$0x12200] =	vst v63  }
0x15a: {  	s10 =	simm.s32 $0xB980  }
0x15b: {  	[tilespmem:s10], [sflag:$0x2] =	stream.indirect_vreg.gather [hbm4b:s11+s9], $0x80, v6, vm0, $0xb8;
	[tilespmem:$0x12200] =	vst v63  }
0x15c: {  	s11 =	simm.s32 $0xC180  }
0x15d: {  	[tilespmem:s11], [sflag:$0x2] =	stream.indirect_vreg.gather [hbm4b:s12+s9], $0x80, v6, vm0, $0xb8;
	[tilespmem:$0x12200] =	vst v63  }
0x15e: {  	s12 =	simm.s32 $0xC980  }
0x15f: {  	[tilespmem:s12], [sflag:$0x2] =	stream.indirect_vreg.gather [hbm4b:s13+s9], $0x80, v6, vm0, $0xb8;
	[tilespmem:$0x12200] =	vst v63  }
0x160: {  	s13 =	simm.s32 $0xD180  }
0x161: {  	[tilespmem:s13], [sflag:$0x2] =	stream.indirect_vreg.gather [hbm4b:s14+s9], $0x80, v6, vm0, $0xb8;
	[tilespmem:$0x12200] =	vst v63  }
0x162: {  	s14 =	simm.s32 $0xD980  }
0x163: {  	[tilespmem:s14], [sflag:$0x2] =	stream.indirect_vreg.gather [hbm4b:s15+s9], $0x80, v6, vm0, $0xb8;
	[tilespmem:$0x12200] =	vst v63  }
0x164: {  	s15 =	simm.s32 $0xE180  }
0x165: {  	[tilespmem:s15], [sflag:$0x2] =	stream.indirect_vreg.gather [hbm4b:s16+s9], $0x80, v6, vm0, $0xb8;
	[tilespmem:$0x12200] =	vst v63  }
0x166: {  	s16 =	simm.s32 $0xE980  }
0x167: {  	[tilespmem:s16], [sflag:$0x2] =	stream.indirect_vreg.gather [hbm4b:s17+s9], $0x80, v6, vm0, $0xb8;
	[tilespmem:$0x12200] =	vst v63  }
0x168: {  	s17 =	simm.s32 $0xF180  }
0x169: {  	[tilespmem:s17], [sflag:$0x2] =	stream.indirect_vreg.gather [hbm4b:s18+s9], $0x80, v6, vm0, $0xb8;
	[tilespmem:$0x12200] =	vst v63  }
0x16a: {  	s20 =	simm.s32 $0xF980  }
0x16b: {  	[tilespmem:s20], [sflag:$0x2] =	stream.indirect_vreg.gather [hbm4b:s19+s9], $0x80, v6, vm0, $0xb8;
	[tilespmem:$0x12200] =	vst v63  }
0x16c: {  	s29 =	smov.u32 s26;
	s26 =	simm.s32 $0x10180  }
0x16d: {  	[tilespmem:s26], [sflag:$0x2] =	stream.indirect_vreg.gather [hbm4b:s21+s9], $0x80, v6, vm0, $0xb8;
	[tilespmem:$0x12200] =	vst v63  }
0x16e: {  	s28 =	simm.s32 $0x10980  }
0x16f: {  	[tilespmem:s28], [sflag:$0x2] =	stream.indirect_vreg.gather [hbm4b:s22+s9], $0x80, v6, vm0, $0xb8;
	[tilespmem:$0x12200] =	vst v63  }
0x170: {  	s30 =	simm.s32 $0x11180  }
0x171: {  	[tilespmem:s30], [sflag:$0x2] =	stream.indirect_vreg.gather [hbm4b:s24+s9], $0x80, v6, vm0, $0xb8;
	[tilespmem:$0x12200] =	vst v63  }
0x172: {  	s31 =	simm.s32 $0x11980  }
0x173: {  	[tilespmem:s31], [sflag:$0x2] =	stream.indirect_vreg.gather [hbm4b:s4+s9], $0x80, v6, vm0, $0xb8;
	[tilespmem:$0x12200] =	vst v63  }
0x174: {  	v6 =	vld [tilespmem:s5+$0x0];
	_ =	sdelay $0x2  }
0x175: {  	p0 =	sne.s32 s23, $0x3C000  }
.Ltmp0:
0x176: {  	_ = 	snop;
	(pc) =	sbr.rel @p0 .LBB2_2-.Ltmp0, $4  }
0x177: {  	(v2sf) =	vpush v6, $0x1  }
0x178: {  	(v2sf) =	vpush v6, $0x3  }
0x179: {  	(v2sf) =	vpush v6, $0x0  }
0x17a: {  	s23 =	sadd.s32 $0x2000, s23;
	(v2sf) =	vpush v6, $0x2  }
0x17b: {  	_ =	sdelay $0xa  }
0x17c: {  	s1 =	spop (v2sf)  }
0x17d: {  	[dreg:$0x1e] =	wrdreg s1  }
0x17e: {  	s0 =	sand.u32 $0x70, s1;
	s1 =	sshll.u32 s1, $0x2;
	s26 =	spop (v2sf)  }
0x17f: {  	s1 =	sand.u32 $0xFFFFFE00, s1;
	s2 =	sshll.u32 s26, $0x2  }
0x180: {  	[smem:$0x7F8] =	sst s26;
	s3 =	spop (v2sf);
	s4 =	sand.u32 $0x70, s26  }
0x181: {  	[smem:$0x7F7] =	sst s3;
	s6 =	sand.u32 $0x70, s3;
	s7 =	sshll.u32 s3, $0x2  }
0x182: {  	s0 =	sor.u32 s0, s1;
	s2 =	sand.u32 $0xFFFFFE00, s2;
	s28 =	spop (v2sf)  }
0x183: {  	s24 =	sand.u32 $0xFFFFFE00, s7;
	v7 =	vld [tilespmem:s0+$0x2200];
	s31 =	sshll.u32 s28, $0x2;
	s2 =	sor.u32 s4, s2  }
0x184: {  	s7 =	sand.u32 $0x70, s28;
	s30 =	sor.u32 s6, s24;
	s1 =	sand.u32 $0xFFFFFE00, s31;
	v6 =	vld [tilespmem:s2+$0x2300]  }
0x185: {  	[dreg:$0x1f] =	wrdreg s28;
	v9 =	vld [tilespmem:s30+$0x2180];
	s0 =	sor.u32 s7, s1;
	s30 =	simm.s32 $0x2  }
0x186: {  	s10 =	simm.s32 $0x200;
	s11 =	simm.s32 $0x400;
	v8 =	vld [tilespmem:s0+$0x2280];
	_ =	swait.ge [sflag:s30], $0x8000  }
0x187: {  	s12 =	simm.s32 $0xA180;
	s8 =	rddreg [dreg:$0x4];
	[sflag:s30] =	ssyncset.done $0x0  }
0x188: {  	s31 =	simm.s32 $0x3;
	[sflag:s30] =	ssyncadd.s32 $0xFFFF8000;
	s0 =	sadd.s32 s29, s8  }
0x189: {  	[hbm4b:s0+s10] =	stream.strided.scatter [tilespmem:s12], [sflag:$0x4], $0x8000, s11, s10, $0x38;
	[tilespmem:$0x12200] =	vst v63  }
0x18a: {  	_ =	swait.ge [sflag:s31], $0x8000  }
0x18b: {  	[sflag:s31] =	ssyncset.done $0x0  }
0x18c: {  	s4 =	sadd.s32 $0x100, s25;
	[sflag:s31] =	ssyncadd.s32 $0xFFFF8000  }
0x18d: {  	v10 =	vld.msk [tilespmem:s4+$0xFFFFFF80], $0xf;
	_ =	sdelay $0x4  }
0x18e: {  	v11 =	vshll.u32 v10, $0x6  }
0x18f: {  	v10 =	vand.u32 $0x7, v10;
	v11 =	vand.u32 $0xFFFFFE00, v11  }
0x190: {  	v10 =	vor.u32 v10, v11  }
0x191: {  	v10 =	vperm.xlane v10, v1;
	_ =	sdelay $0x1  }
0x192: {  	v10 =	vadd.s32 v2, v10;
	_ =	sdelay $0x3  }
0x193: {  	s25 =	simm.s32 $0x2180;
	s26 =	rddreg [dreg:$0x0]  }
0x194: {  	[tilespmem:s25], [sflag:$0x1] =	stream.indirect_vreg.gather [hbm4b:s26+s9], $0x80, v10, vm0, $0xb8;
	[tilespmem:$0x12200] =	vst v63  }
0x195: {  	s13 =	simm.s32 $0x2980;
	s3 =	rddreg [dreg:$0x6]  }
0x196: {  	[tilespmem:s13], [sflag:$0x1] =	stream.indirect_vreg.gather [hbm4b:s3+s9], $0x80, v10, vm0, $0xb8;
	[tilespmem:$0x12200] =	vst v63  }
0x197: {  	s14 =	simm.s32 $0x3180;
	s10 =	rddreg [dreg:$0x7]  }
0x198: {  	[tilespmem:s14], [sflag:$0x1] =	stream.indirect_vreg.gather [hbm4b:s10+s9], $0x80, v10, vm0, $0xb8;
	[tilespmem:$0x12200] =	vst v63  }
0x199: {  	s15 =	simm.s32 $0x3980;
	s11 =	rddreg [dreg:$0x8]  }
0x19a: {  	[tilespmem:s15], [sflag:$0x1] =	stream.indirect_vreg.gather [hbm4b:s11+s9], $0x80, v10, vm0, $0xb8;
	[tilespmem:$0x12200] =	vst v63  }
0x19b: {  	s16 =	simm.s32 $0x4180;
	s12 =	rddreg [dreg:$0x9]  }
0x19c: {  	[tilespmem:s16], [sflag:$0x1] =	stream.indirect_vreg.gather [hbm4b:s12+s9], $0x80, v10, vm0, $0xb8;
	[tilespmem:$0x12200] =	vst v63  }
0x19d: {  	s17 =	simm.s32 $0x4980;
	s13 =	rddreg [dreg:$0xa]  }
0x19e: {  	[tilespmem:s17], [sflag:$0x1] =	stream.indirect_vreg.gather [hbm4b:s13+s9], $0x80, v10, vm0, $0xb8;
	[tilespmem:$0x12200] =	vst v63  }
0x19f: {  	s18 =	simm.s32 $0x5180;
	s14 =	rddreg [dreg:$0xb]  }
0x1a0: {  	[tilespmem:s18], [sflag:$0x1] =	stream.indirect_vreg.gather [hbm4b:s14+s9], $0x80, v10, vm0, $0xb8;
	[tilespmem:$0x12200] =	vst v63  }
0x1a1: {  	s19 =	simm.s32 $0x5980;
	s15 =	rddreg [dreg:$0xc]  }
0x1a2: {  	[tilespmem:s19], [sflag:$0x1] =	stream.indirect_vreg.gather [hbm4b:s15+s9], $0x80, v10, vm0, $0xb8;
	[tilespmem:$0x12200] =	vst v63  }
0x1a3: {  	s20 =	simm.s32 $0x6180;
	s16 =	rddreg [dreg:$0xd]  }
0x1a4: {  	[tilespmem:s20], [sflag:$0x1] =	stream.indirect_vreg.gather [hbm4b:s16+s9], $0x80, v10, vm0, $0xb8;
	[tilespmem:$0x12200] =	vst v63  }
0x1a5: {  	s21 =	simm.s32 $0x6980;
	s17 =	rddreg [dreg:$0xe]  }
0x1a6: {  	[tilespmem:s21], [sflag:$0x1] =	stream.indirect_vreg.gather [hbm4b:s17+s9], $0x80, v10, vm0, $0xb8;
	[tilespmem:$0x12200] =	vst v63  }
0x1a7: {  	s22 =	simm.s32 $0x7180;
	s18 =	rddreg [dreg:$0xf]  }
0x1a8: {  	[tilespmem:s22], [sflag:$0x1] =	stream.indirect_vreg.gather [hbm4b:s18+s9], $0x80, v10, vm0, $0xb8;
	[tilespmem:$0x12200] =	vst v63  }
0x1a9: {  	s23 =	simm.s32 $0x7980;
	s19 =	rddreg [dreg:$0x10]  }
0x1aa: {  	[tilespmem:s23], [sflag:$0x1] =	stream.indirect_vreg.gather [hbm4b:s19+s9], $0x80, v10, vm0, $0xb8;
	[tilespmem:$0x12200] =	vst v63  }
0x1ab: {  	s24 =	simm.s32 $0x8180;
	s20 =	rddreg [dreg:$0x11]  }
0x1ac: {  	[tilespmem:s24], [sflag:$0x1] =	stream.indirect_vreg.gather [hbm4b:s20+s9], $0x80, v10, vm0, $0xb8;
	[tilespmem:$0x12200] =	vst v63  }
0x1ad: {  	s28 =	simm.s32 $0x8980;
	s22 =	rddreg [dreg:$0x12]  }
0x1ae: {  	[tilespmem:s28], [sflag:$0x1] =	stream.indirect_vreg.gather [hbm4b:s22+s9], $0x80, v10, vm0, $0xb8;
	[tilespmem:$0x12200] =	vst v63  }
0x1af: {  	s1 =	simm.s32 $0x9180;
	s23 =	rddreg [dreg:$0x13]  }
0x1b0: {  	[tilespmem:s1], [sflag:$0x1] =	stream.indirect_vreg.gather [hbm4b:s23+s9], $0x80, v10, vm0, $0xb8;
	[tilespmem:$0x12200] =	vst v63  }
0x1b1: {  	s5 =	sadd.s32 $0x8, s5;
	s2 =	simm.s32 $0x9980;
	s24 =	rddreg [dreg:$0x14]  }
0x1b2: {  	[tilespmem:s2], [sflag:$0x1] =	stream.indirect_vreg.gather [hbm4b:s24+s9], $0x80, v10, vm0, $0xb8;
	[tilespmem:$0x12200] =	vst v63  }
0x1b3: {  	v10 =	vld [tilespmem:s5+$0xFFFFFFF8];
	_ =	sdelay $0x4  }
0x1b4: {  	(v2sf) =	vpush v10, $0x7  }
0x1b5: {  	(v2sf) =	vpush v10, $0x6  }
0x1b6: {  	(v2sf) =	vpush v10, $0x5  }
0x1b7: {  	(v2sf) =	vpush v10, $0x4;
	_ =	sdelay $0xb  }
0x1b8: {  	s6 =	spop (v2sf)  }
0x1b9: {  	[smem:$0x7FA] =	sst s6;
	s28 =	spop (v2sf);
	s1 =	sshll.u32 s6, $0x2  }
0x1ba: {  	s0 =	sand.u32 $0x70, s6;
	s7 =	spop (v2sf);
	s1 =	sand.u32 $0xFFFFFE00, s1  }
0x1bb: {  	[smem:$0x7F9] =	sst s7;
	s8 =	sshll.u32 s7, $0x2;
	s21 =	spop (v2sf)  }
0x1bc: {  	s6 =	sand.u32 $0x70, s7;
	s0 =	sor.u32 s0, s1;
	s7 =	sshll.u32 s21, $0x2  }
0x1bd: {  	s2 =	sand.u32 $0xFFFFFE00, s8;
	s8 =	sand.u32 $0x70, s21;
	s7 =	sand.u32 $0xFFFFFE00, s7  }
0x1be: {  	v12 =	vld [tilespmem:s0+$0xA300];
	s2 =	sor.u32 s6, s2;
	s6 =	sor.u32 s8, s7;
	s7 =	sshll.u32 s28, $0x2  }
0x1bf: {  	v31 =	vld [tilespmem:s2+$0xA200];
	s8 =	sand.u32 $0x70, s28;
	s7 =	sand.u32 $0xFFFFFE00, s7  }
0x1c0: {  	s0 =	simm.s32 $0x1;
	v32 =	vld [tilespmem:s6+$0xA180];
	s8 =	sor.u32 s8, s7  }
0x1c1: {  	s7 =	simm.s32 $0x400;
	v13 =	vld [tilespmem:s8+$0xA280];
	_ =	swait.ge [sflag:s0], $0x8000  }
0x1c2: {  	s8 =	simm.s32 $0x4;
	s2 =	rddreg [dreg:$0x5];
	[sflag:s0] =	ssyncset.done $0x0  }
0x1c3: {  	[sflag:s0] =	ssyncadd.s32 $0xFFFF8000;
	s0 =	sadd.s32 s29, s2;
	s29 =	simm.s32 $0x200  }
0x1c4: {  	[hbm4b:s0+s29] =	stream.strided.scatter [tilespmem:s25], [sflag:$0x3], $0x8000, s7, s29, $0x38;
	[tilespmem:$0x12200] =	vst v63  }
0x1c5: {  	_ =	swait.ge [sflag:s8], $0x8000  }
0x1c6: {  	[sflag:s8] =	ssyncset.done $0x0  }
0x1c7: {  	[sflag:s8] =	ssyncadd.s32 $0xFFFF8000  }
0x1c8: {  	v14 =	vld.msk [tilespmem:s4+$0x0], $0xf;
	_ =	sdelay $0x4  }
0x1c9: {  	v15 =	vshll.u32 v14, $0x6  }
0x1ca: {  	v14 =	vand.u32 $0x7, v14;
	v15 =	vand.u32 $0xFFFFFE00, v15  }
0x1cb: {  	v14 =	vor.u32 v14, v15  }
0x1cc: {  	v14 =	vperm.xlane v14, v1;
	_ =	sdelay $0x1  }
0x1cd: {  	v14 =	vadd.s32 v2, v14;
	_ =	sdelay $0x3  }
0x1ce: {  	s25 =	simm.s32 $0xA180  }
0x1cf: {  	[tilespmem:s25], [sflag:$0x2] =	stream.indirect_vreg.gather [hbm4b:s26+s9], $0x80, v14, vm0, $0xb8;
	[tilespmem:$0x12200] =	vst v63  }
0x1d0: {  	s4 =	simm.s32 $0xA980  }
0x1d1: {  	[tilespmem:s4], [sflag:$0x2] =	stream.indirect_vreg.gather [hbm4b:s3+s9], $0x80, v14, vm0, $0xb8;
	[tilespmem:$0x12200] =	vst v63  }
0x1d2: {  	s6 =	simm.s32 $0xB180  }
0x1d3: {  	[tilespmem:s6], [sflag:$0x2] =	stream.indirect_vreg.gather [hbm4b:s10+s9], $0x80, v14, vm0, $0xb8;
	[tilespmem:$0x12200] =	vst v63  }
0x1d4: {  	s10 =	simm.s32 $0xB980  }
0x1d5: {  	[tilespmem:s10], [sflag:$0x2] =	stream.indirect_vreg.gather [hbm4b:s11+s9], $0x80, v14, vm0, $0xb8;
	[tilespmem:$0x12200] =	vst v63  }
0x1d6: {  	s11 =	simm.s32 $0xC180  }
0x1d7: {  	[tilespmem:s11], [sflag:$0x2] =	stream.indirect_vreg.gather [hbm4b:s12+s9], $0x80, v14, vm0, $0xb8;
	[tilespmem:$0x12200] =	vst v63  }
0x1d8: {  	s12 =	simm.s32 $0xC980  }
0x1d9: {  	[tilespmem:s12], [sflag:$0x2] =	stream.indirect_vreg.gather [hbm4b:s13+s9], $0x80, v14, vm0, $0xb8;
	[tilespmem:$0x12200] =	vst v63  }
0x1da: {  	s13 =	simm.s32 $0xD180  }
0x1db: {  	[tilespmem:s13], [sflag:$0x2] =	stream.indirect_vreg.gather [hbm4b:s14+s9], $0x80, v14, vm0, $0xb8;
	[tilespmem:$0x12200] =	vst v63  }
0x1dc: {  	s14 =	simm.s32 $0xD980  }
0x1dd: {  	[tilespmem:s14], [sflag:$0x2] =	stream.indirect_vreg.gather [hbm4b:s15+s9], $0x80, v14, vm0, $0xb8;
	[tilespmem:$0x12200] =	vst v63  }
0x1de: {  	s15 =	simm.s32 $0xE180  }
0x1df: {  	[tilespmem:s15], [sflag:$0x2] =	stream.indirect_vreg.gather [hbm4b:s16+s9], $0x80, v14, vm0, $0xb8;
	[tilespmem:$0x12200] =	vst v63  }
0x1e0: {  	s16 =	simm.s32 $0xE980  }
0x1e1: {  	[tilespmem:s16], [sflag:$0x2] =	stream.indirect_vreg.gather [hbm4b:s17+s9], $0x80, v14, vm0, $0xb8;
	[tilespmem:$0x12200] =	vst v63  }
0x1e2: {  	s17 =	simm.s32 $0xF180  }
0x1e3: {  	[tilespmem:s17], [sflag:$0x2] =	stream.indirect_vreg.gather [hbm4b:s18+s9], $0x80, v14, vm0, $0xb8;
	[tilespmem:$0x12200] =	vst v63  }
0x1e4: {  	s26 =	simm.s32 $0xF980  }
0x1e5: {  	[tilespmem:s26], [sflag:$0x2] =	stream.indirect_vreg.gather [hbm4b:s19+s9], $0x80, v14, vm0, $0xb8;
	[tilespmem:$0x12200] =	vst v63  }
0x1e6: {  	s1 =	simm.s32 $0x10180  }
0x1e7: {  	[tilespmem:s1], [sflag:$0x2] =	stream.indirect_vreg.gather [hbm4b:s20+s9], $0x80, v14, vm0, $0xb8;
	[tilespmem:$0x12200] =	vst v63  }
0x1e8: {  	s2 =	simm.s32 $0x10980  }
0x1e9: {  	[tilespmem:s2], [sflag:$0x2] =	stream.indirect_vreg.gather [hbm4b:s22+s9], $0x80, v14, vm0, $0xb8;
	[tilespmem:$0x12200] =	vst v63  }
0x1ea: {  	s3 =	simm.s32 $0x11180  }
0x1eb: {  	[tilespmem:s3], [sflag:$0x2] =	stream.indirect_vreg.gather [hbm4b:s23+s9], $0x80, v14, vm0, $0xb8;
	[tilespmem:$0x12200] =	vst v63  }
0x1ec: {  	s4 =	simm.s32 $0x11980  }
0x1ed: {  	[tilespmem:s4], [sflag:$0x2] =	stream.indirect_vreg.gather [hbm4b:s24+s9], $0x80, v14, vm0, $0xb8;
	[tilespmem:$0x12200] =	vst v63  }
0x1ee: {  	v14 =	vld [tilespmem:s5+$0x0];
	_ =	sdelay $0x4  }
0x1ef: {  	(v2sf) =	vpush v14, $0x1  }
0x1f0: {  	(v2sf) =	vpush v14, $0x3  }
0x1f1: {  	(v2sf) =	vpush v14, $0x0;
	_ =	sdelay $0x1  }
0x1f2: {  	(v2sf) =	vpush v14, $0x2;
	_ =	sdelay $0xa  }
0x1f3: {  	s22 =	spop (v2sf)  }
0x1f4: {  	s5 =	sand.u32 $0x70, s22;
	s6 =	sshll.u32 s22, $0x2;
	s23 =	spop (v2sf)  }
0x1f5: {  	s1 =	sand.u32 $0xFFFFFE00, s6;
	s10 =	sshll.u32 s23, $0x2;
	s11 =	spop (v2sf)  }
0x1f6: {  	s18 =	sand.u32 $0x70, s23;
	s12 =	sand.u32 $0x70, s11;
	s13 =	sshll.u32 s11, $0x2  }
0x1f7: {  	s0 =	sor.u32 s5, s1;
	s2 =	sand.u32 $0xFFFFFE00, s10;
	s15 =	spop (v2sf)  }
0x1f8: {  	s14 =	sand.u32 $0xFFFFFE00, s13;
	v33 =	vld [tilespmem:s0+$0x2200];
	s17 =	sshll.u32 s15, $0x2;
	s19 =	sor.u32 s18, s2  }
0x1f9: {  	s20 =	sand.u32 $0x70, s15;
	s16 =	sor.u32 s12, s14;
	s1 =	sand.u32 $0xFFFFFE00, s17;
	v16 =	vld [tilespmem:s19+$0x2300]  }
0x1fa: {  	v34 =	vld [tilespmem:s16+$0x2180];
	s1 =	sor.u32 s20, s1  }
0x1fb: {  	v17 =	vld [tilespmem:s1+$0x2280];
	_ =	swait.ge [sflag:s30], $0x8000  }
0x1fc: {  	[sflag:s30] =	ssyncset.done $0x0  }
0x1fd: {  	s24 =	rddreg [dreg:$0x1a];
	[sflag:s30] =	ssyncadd.s32 $0xFFFF8000  }
0x1fe: {  	[hbm4b:s24+s29] =	stream.strided.scatter [tilespmem:s25], [sflag:$0x4], $0x8000, s7, s29, $0x38;
	[tilespmem:$0x12200] =	vst v63  }
0x1ff: {  	_ =	swait.ge [sflag:s31], $0x8000  }
0x200: {  	[sflag:s31] =	ssyncset.done $0x0  }
0x201: {  	s25 =	sld [smem:$0x7F7];
	[sflag:s31] =	ssyncadd.s32 $0xFFFF8000  }
0x202: {  	v18 =	vld [tilespmem:$0x20F8];
	_ =	sdelay $0x1  }
0x203: {  	vm1 =	veq.s32 v4, v0;
	s0 =	sand.u32 $0xF, s25  }
0x204: {  	v3 =	vnsel vm1, $0x0, v3;
	s26 =	rddreg [dreg:$0x1e];
	v35 =	vmov s0  }
0x205: {  	v3 =	vadd.f32 v5, v3;
	s29 =	rddreg [dreg:$0x1f];
	s0 =	sand.u32 $0xF, s26;
	vm1 =	veq.s32 v35, v0  }
0x206: {  	s30 =	sld [smem:$0x7F8];
	v36 =	vmov s0;
	v37 =	vnsel vm1, $0x0, v9;
	(v2sf) =	vpush v18, $0x4  }
0x207: {  	s0 =	sand.u32 $0xF, s29;
	vm1 =	veq.s32 v36, v0;
	v3 =	vadd.f32 v37, v3  }
0x208: {  	v38 =	vmov s0;
	v39 =	vnsel vm1, $0x0, v7;
	(v2sf) =	vpush v18, $0x5  }
0x209: {  	s0 =	sand.u32 $0xF, s30;
	vm1 =	veq.s32 v38, v0;
	v3 =	vadd.f32 v3, v39  }
0x20a: {  	s1 =	sld [smem:$0x7F9];
	v40 =	vmov s0;
	v41 =	vnsel vm1, $0x0, v8;
	(v2sf) =	vpush v18, $0x6  }
0x20b: {  	s31 =	sand.u32 $0xF, s21;
	vm1 =	veq.s32 v40, v0;
	v3 =	vadd.f32 v3, v41  }
0x20c: {  	v42 =	vmov s31;
	v43 =	vnsel vm1, $0x0, v6;
	(v2sf) =	vpush v18, $0x7  }
0x20d: {  	s0 =	sand.u32 $0xF, s1;
	vm1 =	veq.s32 v42, v0;
	v3 =	vadd.f32 v3, v43  }
0x20e: {  	s3 =	sld [smem:$0x7FA];
	v44 =	vmov s0;
	v45 =	vnsel vm1, $0x0, v32  }
0x20f: {  	s2 =	sand.u32 $0xF, s28;
	vm1 =	veq.s32 v44, v0;
	v3 =	vadd.f32 v45, v3  }
0x210: {  	v46 =	vmov s2;
	v4 =	vnsel vm1, $0x0, v31  }
0x211: {  	s0 =	sand.u32 $0xF, s3;
	vm1 =	veq.s32 v46, v0;
	v3 =	vadd.f32 v3, v4  }
0x212: {  	v47 =	vmov s0;
	v5 =	vnsel vm1, $0x0, v13  }
0x213: {  	s6 =	sand.u32 $0xF, s11;
	vm1 =	veq.s32 v47, v0;
	v3 =	vadd.f32 v3, v5  }
0x214: {  	v48 =	vmov s6;
	v4 =	vnsel vm1, $0x0, v12  }
0x215: {  	s7 =	sand.u32 $0xF, s22;
	vm1 =	veq.s32 v48, v0;
	v3 =	vadd.f32 v3, v4;
	s10 =	spop (v2sf)  }
0x216: {  	s11 =	sand.u32 $0xF, s15;
	v49 =	vmov s7;
	v5 =	vnsel vm1, $0x0, v34;
	s12 =	sshll.u32 s10, $0x2  }
0x217: {  	vm1 =	veq.s32 v49, v0;
	v3 =	vadd.f32 v5, v3;
	s13 =	sand.u32 $0x70, s10;
	s14 =	spop (v2sf);
	s0 =	sand.u32 $0xFFFFFE00, s12  }
0x218: {  	s15 =	sand.u32 $0xF, s23;
	v50 =	vmov s11;
	v51 =	vnsel vm1, $0x0, v33;
	s16 =	sshll.u32 s14, $0x2;
	s0 =	sor.u32 s13, s0  }
0x219: {  	vm1 =	veq.s32 v50, v0;
	s17 =	sand.u32 $0x70, s14;
	s18 =	spop (v2sf);
	v3 =	vadd.f32 v3, v51;
	s4 =	sand.u32 $0xFFFFFE00, s16;
	v52 =	vld [tilespmem:s0+$0xA180]  }
0x21a: {  	v53 =	vmov s15;
	v54 =	vnsel vm1, $0x0, v17;
	s1 =	sand.u32 $0xF, s10;
	s19 =	sshll.u32 s18, $0x2;
	s0 =	sor.u32 s17, s4  }
0x21b: {  	vm1 =	veq.s32 v53, v0;
	s20 =	sand.u32 $0x70, s18;
	s21 =	spop (v2sf);
	s2 =	sand.u32 $0xFFFFFE00, s19;
	v3 =	vadd.f32 v3, v54;
	v55 =	vld [tilespmem:s0+$0xA200]  }
0x21c: {  	v57 =	vnsel vm1, $0x0, v16;
	v56 =	vmov s1;
	s22 =	sshll.u32 s21, $0x2;
	s0 =	sor.u32 s20, s2  }
0x21d: {  	s23 =	sand.u32 $0xF, s14;
	vm1 =	veq.s32 v56, v0;
	s24 =	sand.u32 $0x70, s21;
	s1 =	sand.u32 $0xFFFFFE00, s22;
	v58 =	vld [tilespmem:s0+$0xA280];
	v3 =	vadd.f32 v3, v57  }
0x21e: {  	v59 =	vmov s23;
	s0 =	sor.u32 s24, s1;
	v4 =	vnsel vm1, $0x0, v52  }
0x21f: {  	s25 =	sand.u32 $0xF, s18;
	v60 =	vld [tilespmem:s0+$0xA300];
	vm1 =	veq.s32 v59, v0;
	v3 =	vadd.f32 v4, v3  }
0x220: {  	v61 =	vmov s25;
	v5 =	vnsel vm1, $0x0, v55  }
0x221: {  	s26 =	sand.u32 $0xF, s21;
	vm1 =	veq.s32 v61, v0;
	v3 =	vadd.f32 v3, v5  }
0x222: {  	v62 =	vmov s26;
	v63 =	vnsel vm1, $0x0, v58  }
0x223: {  	vm1 =	veq.s32 v62, v0;
	v3 =	vadd.f32 v3, v63  }
0x224: {  	_ =	swait.ge [sflag:s8], $0x8000;
	v4 =	vnsel vm1, $0x0, v60  }
0x225: {  	[sflag:s8] =	ssyncset.done $0x0;
	v3 =	vadd.f32 v3, v4  }
0x226: {  	[sflag:s8] =	ssyncadd.s32 $0xFFFF8000  }
0x227: {  	s29 =	simm.s32 $0x12180;
	s1 =	simm.s32 $0x5;
	s28 =	rddreg [dreg:$0x1b];
	[tilespmem:$0x12180] =	vst v3  }
0x228: {  	[hbm4b:s28+s9] =	stream.linear.scatter [tilespmem:s29], [sflag:$0x5], $0x80, $0x38;
	[tilespmem:$0x12200] =	vst v63  }
0x229: {  	_ =	swait.ge [sflag:s1], $0x80  }
0x22a: {  	s30 =	rddreg [dreg:$0x1d]  }
0x22b: {  	s31 =	rddreg [dreg:$0x1c];
	s2 =	sadd.s32 $0x1, s30  }
0x22c: {  	p0 =	sne.s32 s2, s31  }
.Ltmp1:
0x22d: {  	_ = 	snop;
	(pc) =	sbr.rel @p0 .LBB2_1-.Ltmp1, $3  }
0x22e: {  	_ =	sdelay $0x1  }
0x22f: {  	[sflag:s1] =	ssyncset.done $0x0  }
0x230: {  	[sflag:s1] =	ssyncadd.s32 $0xFFFFFF80  }
0x231: {  	_ =	sfence.sel $0x180000  }
0x232: {  	[bflag:$0x0] =	sbarrier.arrive $0xFFFF  }
0x233: {  	_ =	strace $0x90000047  }
0x234: {  	s0 =	stileid.u32;
	[bflag:$0x2] =	sbarrier.arrive $0xFFFF  }
0x235: {  	p0 =	sne.s32 s0, $0x0;
	s0 =	rddreg [dreg:$0x3]  }
0x236: {  	s0 =	sadd.s32 @!p0 $0x100000, s0  }
0x237: {  	[sflag:s0] =	ssyncadd.tile.s32 @!p0 $0x1;
	_ =	shalt  }
.Lfunc_end2:
_tile_overlayer_lowered:
.L_overlay_start_2:
0x238: {  	(tag) =	ssettag $0x2  }
0x239: {  	s0 =	rddreg [dreg:$0x0];
	s2 =	stileid.u32  }
0x23a: {  	s1 =	rddreg [dreg:$0x1];
	p0 =	sne.s32 s2, $0x0  }
0x23b: {  	s3 =	rddreg [dreg:$0x2];
	[bflag:$0x3] =	sbarrier.arrive $0xFFFF;
	s2 =	simm.s32 @!p0 $0x1C05  }
0x23c: {  	[timem:s3], [sflag:s2] =	dma.local @!p0 [hbm:s0], s1  }
0x23d: {  	s0 =	simm.s32 @!p0 $0x5  }
0x23e: {  	_ =	swait.ge @!p0 [sflag:s0], s1  }
0x23f: {  	s1 =	ssub.s32 @!p0 $0x0, s1;
	[sflag:s0] =	ssyncset.done @!p0 $0x0  }
0x240: {  	[sflag:s0] =	ssyncadd.s32 @!p0 s1  }
0x241: {  	[bflag:$0x3] =	sbarrier.arrive $0xFFFF  }
0x242: {  	_ =	shalt  }

// kernel: kernel.8.cloned.1.call-start
scs
__scs_entry_jumppad:
0x0: {  	(pc) =	sbr.rel $0x88, $3  }
0x1: {  	(tag) =	ssettag $0x0;
	lr =	simm.s32 $0x1  }
0x2: {  	[smem:$0x3F9E] =	sst lr;
	_ =	strace $0xD0000000  }
0x3: {  	_ = 	snop  }
0x4: {  	_ = 	snop  }
0x5: {  	_ = 	snop  }
0x6: {  	_ = 	snop  }
0x7: {  	_ = 	snop  }
__scs_overlays_trampoline_lowered:
0x8: {  	[smem:$0x3FAD] =	sst s0  }
0x9: {  	[smem:$0x3FAE] =	sst s1  }
0xa: {  	[smem:$0x3FAF] =	sst s2  }
0xb: {  	[smem:$0x3FB0] =	sst s3  }
0xc: {  	[smem:$0x3FB1] =	sst s4  }
0xd: {  	[smem:$0x3FB2] =	sst s5  }
0xe: {  	[smem:$0x3FB3] =	sst s6  }
0xf: {  	[smem:$0x3FB4] =	sst s7  }
0x10: {  	[smem:$0x3FB5] =	sst s8  }
0x11: {  	[smem:$0x3FB6] =	sst s9;
	s0 =	simm.s32 @!p0 $0x0  }
0x12: {  	s1 =	sld [smem:$0x3F9C];
	s0 =	simm.s32 @p0 $0x1  }
0x13: {  	[smem:$0x3FB7] =	sst s0;
	s0 =	simm.s32 @!p1 $0x0  }
0x14: {  	s2 =	sld [smem:$0x3F9B];
	s0 =	simm.s32 @p1 $0x1  }
0x15: {  	[smem:$0x3FB8] =	sst s0;
	s0 =	simm.s32 @!p2 $0x0  }
0x16: {  	s3 =	sld [smem:$0x3FDB];
	s0 =	simm.s32 @p2 $0x1  }
0x17: {  	s4 =	simm.s32 $0x1BF5;
	[smem:$0x3FBA] =	sst s0  }
0x18: {  	s0 =	sld [smem:$0x3F9D];
	_ =	swait.ge [sflag:s4], $0x0  }
0x19: {  	s7 =	sld [smem:$0x3F9E]  }
0x1a: {  	s8 =	sadd.s32 $0xFFFFE003, lr  }
0x1b: {  	s9 =	sadd.s32 $0xFFFFFEF7, lr;
	s5 =	simm.s32 $0xFFFFFFFF;
	p2 =	slt.u32 s8, $0xFFFFF086  }
0x1c: {  	p1 =	slt.u32 s9, $0xF7A;
	s5 =	simm.s32 @!p2 $0x0  }
0x1d: {  	s5 =	simm.s32 @p1 $0x1;
	p0 =	seq.s32 s7, s2  }
0x1e: {  	s7 =	smul.u32 @!p0 $0xF7A, s2;
	p2 =	seq.s32 @!p0 s5, $0x0  }
0x1f: {  	s9 =	smul.u32 $0xF7A, s1;
	s8 =	simm.s32 @!p0 $0x1BF5;
	p2 =	por !p2, p0  }
0x20: {  	[sflag:s8] =	ssyncset.s32 @!p0 $0xFFFFF086;
	s6 =	sadd.s32 @!p0 s3, s7;
	s7 =	simm.s32 @!p0 $0x108  }
0x21: {  	s3 =	sadd.s32 s3, s9;
	s6 =	sadd.s32 @!p0 $0x88, s6;
	s7 =	simm.s32 @p2 $0x1082  }
0x22: {  	[simem:s7], [sflag:s8] =	dma.local @!p0 [hbm:s6], $0xF7A  }
0x23: {  	s9 =	sor.u32 $0xD0000000, s2;
	s6 =	simm.s32 $0x108;
	_ =	swait.ge @!p0 [sflag:s8], $0x0  }
0x24: {  	s3 =	sadd.s32 $0x88, s3;
	s6 =	simm.s32 @!p1 $0x1082;
	[sflag:s4] =	ssyncset.s32 $0xFFFFF086  }
0x25: {  	[simem:s6], [sflag:s4] =	dma.local [hbm:s3], $0xF7A  }
0x26: {  	[smem:$0x3F9E] =	sst s1;
	(tag) =	ssettag s2;
	_ =	strace s9  }
0x27: {  	s1 =	sld [smem:$0x3FAE]  }
0x28: {  	s2 =	sld [smem:$0x3FAF]  }
0x29: {  	s4 =	sld [smem:$0x3FB1]  }
0x2a: {  	p0 =	seq.s32 s5, $0x0;
	s5 =	sld [smem:$0x3FB2]  }
0x2b: {  	s6 =	sld [smem:$0x3FB3]  }
0x2c: {  	s7 =	sld [smem:$0x3FB4]  }
0x2d: {  	s3 =	simm.s32 $0x108;
	s8 =	sld [smem:$0x3FB5]  }
0x2e: {  	s3 =	simm.s32 @!p0 $0x1082;
	s9 =	sld [smem:$0x3FB6]  }
0x2f: {  	lr =	sadd.s32 s0, s3;
	s0 =	sld [smem:$0x3FAD]  }
0x30: {  	s3 =	sld [smem:$0x3FB0]  }
0x31: {  	[smem:$0x3FB9] =	sst s10  }
0x32: {  	s10 =	sld [smem:$0x3FB7];
	_ =	sdelay $0x3  }
0x33: {  	p0 =	seq.s32 s10, $0x1;
	s10 =	sld [smem:$0x3FB9];
	_ =	sdelay $0x3  }
0x34: {  	[smem:$0x3FB9] =	sst s10  }
0x35: {  	s10 =	sld [smem:$0x3FB8];
	_ =	sdelay $0x3  }
0x36: {  	p1 =	seq.s32 s10, $0x1;
	s10 =	sld [smem:$0x3FB9];
	_ =	sdelay $0x3  }
0x37: {  	[smem:$0x3FB9] =	sst s10  }
0x38: {  	s10 =	sld [smem:$0x3FBA]  }
0x39: {  	_ = 	snop;
	(pc) =	sbr.ind lr, $3  }
0x3a: {  	_ = 	snop  }
0x3b: {  	_ = 	snop  }
0x3c: {  	p2 =	seq.s32 s10, $0x1;
	s10 =	sld [smem:$0x3FB9]  }
0x3d: {  	_ =	shalt  }
0x3e: {  	_ =	shalt  }
0x3f: {  	_ =	shalt  }
0x40: {  	_ =	shalt  }
0x41: {  	_ =	shalt  }
0x42: {  	_ =	shalt  }
0x43: {  	_ =	shalt  }
0x44: {  	_ =	shalt  }
0x45: {  	_ =	shalt  }
0x46: {  	_ =	shalt  }
0x47: {  	_ =	shalt  }
0x48: {  	_ =	shalt  }
0x49: {  	_ =	shalt  }
0x4a: {  	_ =	shalt  }
0x4b: {  	_ =	shalt  }
0x4c: {  	_ =	shalt  }
0x4d: {  	_ =	shalt  }
0x4e: {  	_ =	shalt  }
0x4f: {  	_ =	shalt  }
0x50: {  	_ =	shalt  }
0x51: {  	_ =	shalt  }
0x52: {  	_ =	shalt  }
0x53: {  	_ =	shalt  }
0x54: {  	_ =	shalt  }
0x55: {  	_ =	shalt  }
0x56: {  	_ =	shalt  }
0x57: {  	_ =	shalt  }
0x58: {  	_ =	shalt  }
0x59: {  	_ =	shalt  }
0x5a: {  	_ =	shalt  }
0x5b: {  	_ =	shalt  }
0x5c: {  	_ =	shalt  }
0x5d: {  	_ =	shalt  }
0x5e: {  	_ =	shalt  }
0x5f: {  	_ =	shalt  }
0x60: {  	_ =	shalt  }
0x61: {  	_ =	shalt  }
0x62: {  	_ =	shalt  }
0x63: {  	_ =	shalt  }
0x64: {  	_ =	shalt  }
0x65: {  	_ =	shalt  }
0x66: {  	_ =	shalt  }
0x67: {  	_ =	shalt  }
0x68: {  	_ =	shalt  }
0x69: {  	_ =	shalt  }
0x6a: {  	_ =	shalt  }
0x6b: {  	_ =	shalt  }
0x6c: {  	_ =	shalt  }
0x6d: {  	_ =	shalt  }
0x6e: {  	_ =	shalt  }
0x6f: {  	_ =	shalt  }
0x70: {  	_ =	shalt  }
0x71: {  	_ =	shalt  }
0x72: {  	_ =	shalt  }
0x73: {  	_ =	shalt  }
0x74: {  	_ =	shalt  }
0x75: {  	_ =	shalt  }
0x76: {  	_ =	shalt  }
0x77: {  	_ =	shalt  }
0x78: {  	_ =	shalt  }
0x79: {  	_ =	shalt  }
0x7a: {  	_ =	shalt  }
0x7b: {  	_ =	shalt  }
0x7c: {  	_ =	shalt  }
0x7d: {  	_ =	shalt  }
0x7e: {  	_ =	shalt  }
0x7f: {  	_ =	shalt  }
0x80: {  	_ =	shalt  }
0x81: {  	_ =	shalt  }
0x82: {  	_ =	shalt  }
0x83: {  	_ =	shalt  }
0x84: {  	_ =	shalt  }
0x85: {  	_ =	shalt  }
0x86: {  	_ =	shalt  }
0x87: {  	_ =	shalt  }
.Lfunc_end0:
.L_simem_size_0:
called_computation.1_lowered:
.L_overlay_start_0:
0x88: {  	s2 =	sld [smem:$0x3FD9]  }
0x89: {  	s3 =	sld [smem:$0x3FFE];
	_ =	sdelay $0x1  }
0x8a: {  	s1 =	srdreg.scid  }
0x8b: {  	s0 =	sand.u32 $0x1, s1  }
0x8c: {  	s17 =	sshll.u32 s0, $0xA;
	s2 =	sadd.s32 s3, s2  }
0x8d: {  	s2 =	sadd.s32 s2, s17  }
0x8e: {  	[smem:$0x3FC5] =	sst s2  }
0x8f: {  	_ = 	snop  }
0x90: {  	(tm) =	ssettm $0x1  }
0x91: {  	s18 =	sld [smem:$0x3FFB];
	_ =	sdelay $0x3  }
0x92: {  	_ =	strace s18  }
0x93: {  	s2 =	sld [smem:$0x3FFC];
	_ =	sdelay $0x3  }
0x94: {  	_ =	strace s2  }
0x95: {  	s2 =	sld [smem:$0x3FFD];
	_ =	sdelay $0x3  }
0x96: {  	_ =	strace s2  }
0x97: {  	_ =	strace $0x8FFFFFFF  }
0x98: {  	s19 =	sld [smem:$0x3FDB];
	_ =	sdelay $0x1  }
0x99: {  	s20 =	simm.s32 $_scs_section_size  }
0x9a: {  	s4 =	simm.s32 $_size__tile_overlayer_lowered;
	s5 =	simm.s32 $_tile_overlayer_lowered  }
0x9b: {  	s6 =	simm.s32 $0x1BFF;
	s21 =	sshll.u32 s5, $0x1;
	s3 =	sadd.s32 s20, s19  }
0x9c: {  	s22 =	simm.s32 $0x0;
	s4 =	sshll.u32 s4, $0x1;
	s5 =	sadd.s32 s21, s3  }
0x9d: {  	[timem:s22], [sflag:s6] =	dma.local [hbm:s5], s4  }
0x9e: {  	_ =	swait.ge [sflag:s6], s4  }
0x9f: {  	s4 =	ssub.s32 $0x0, s4;
	[sflag:s6] =	ssyncset.done $0x0  }
0xa0: {  	[sflag:s6] =	ssyncadd.s32 s4;
	_ =	sdelay $0x1  }
0xa1: {  	s23 =	simm.s32 $0x1B8B  }
0xa2: {  	_ =	swait.ge [sflag:s23], $0x1  }
0xa3: {  	[sflag:s23] =	ssyncset.done $0x0  }
0xa4: {  	[sflag:s23] =	ssyncadd.s32 $0xFFFFFFFF  }
0xa5: {  	s4 =	sld [smem:$0x0]  }
0xa6: {  	s5 =	sand.u32 $0xFFFFFFFE, s1  }
0xa7: {  	p0 =	sne.s32 s1, s5  }
0xa8: {  	s5 =	sshll.u32 @p0 s5, $0xE  }
0xa9: {  	s5 =	sadd.s32 @p0 $0x11B8D, s5;
	s6 =	sshll.u32 @p0 s4, $0x11  }
0xaa: {  	s5 =	sor.u32 @p0 s6, s5  }
0xab: {  	[sflag:s5] =	ssyncadd.remote.s32 @p0 $0x1;
	_ =	sdelay $0x1  }
0xac: {  	s5 =	simm.s32 @p0 $0x1B8D  }
0xad: {  	_ =	swait.eq @p0 [sflag:s5], $0x1  }
0xae: {  	[sflag:s5] =	ssyncadd.s32 @p0 $0xFFFFFFFF  }
0xaf: {  	s6 =	sshll.u32 @!p0 s1, $0xE  }
0xb0: {  	s6 =	sor.u32 @!p0 $0x4000, s6;
	s5 =	simm.s32 @!p0 $0x1B8D  }
0xb1: {  	s4 =	sshll.u32 @!p0 s4, $0x11;
	s6 =	sadd.s32 @!p0 $0x11B8D, s6;
	_ =	swait.eq @!p0 [sflag:s5], $0x1  }
0xb2: {  	s4 =	sor.u32 @!p0 s4, s6;
	[sflag:s5] =	ssyncadd.s32 @!p0 $0xFFFFFFFF  }
0xb3: {  	s25 =	simm.s32 $0x1B8E;
	s24 =	sld [smem:$0x3FFE];
	[sflag:s4] =	ssyncadd.remote.s32 @!p0 $0x1  }
0xb4: {  	s26 =	simm.s32 $execute0_lowered;
	[smem:$0x3FD2] =	sst s25  }
0xb5: {  	s5 =	sshll.u32 s26, $0x1;
	_ =	strace $0x80000049;
	[dreg:$0x1] =	wrdreg $0xFFFFFFFF  }
0xb6: {  	s28 =	simm.s32 $_size_execute0_lowered;
	s3 =	sadd.s32 s3, s5;
	[dreg:$0x0] =	wrdreg $0x0  }
0xb7: {  	s5 =	sshll.u32 s28, $0x1;
	[dreg:$0x2] =	wrdreg s3  }
0xb8: {  	[dreg:$0x3] =	wrdreg s5  }
0xb9: {  	[dreg:$0x4] =	wrdreg $0xC0  }
0xba: {  	_ =	task [dreg:s22], $0x5FFFF  }
0xbb: {  	[dreg:$0x1] =	wrdreg $0xFFFFFFFF  }
0xbc: {  	[dreg:$0x0] =	wrdreg $0x60  }
0xbd: {  	[dreg:$0x2] =	wrdreg s24  }
0xbe: {  	[dreg:$0x3] =	wrdreg $0xA  }
0xbf: {  	_ =	task.clear_ibuf [dreg:s22], $0x4FFFF;
	_ =	strace $0x90000049  }
0xc0: {  	s29 =	simm.s32 $0xA;
	_ =	strace $0x8000004B  }
0xc1: {  	_ =	swait.ge [sflag:s29], $0x1  }
0xc2: {  	[sflag:s29] =	ssyncadd.s32 $0xFFFFFFFF  }
0xc3: {  	_ =	strace $0x9000004B  }
0xc4: {  	_ =	sfence  }
0xc5: {  	s30 =	sld [smem:$0x0];
	_ =	sdelay $0x2  }
0xc6: {  	s31 =	sshll.u32 s1, $0xD;
	s1 =	sshrl.u32 s1, $0x2  }
0xc7: {  	s4 =	sand.u32 $0x4000, s31;
	s1 =	sadd.s32 s1, s30  }
0xc8: {  	s0 =	sor.u32 s4, s0;
	s1 =	sshll.u32 s1, $0x11  }
0xc9: {  	s0 =	sor.u32 s1, s0  }
0xca: {  	s0 =	sadd.s32 $0x8F2B, s0  }
0xcb: {  	[sflag:s0] =	ssyncadd.remote.s32 $0x1  }
0xcc: {  	_ =	sfence.sel $0xFFFF  }
0xcd: {  	[dreg:$0x0] =	wrdreg $0xFFFFFFFF;
	(pc) =	sbr.abs _section_cstart, $3  }
0xce: {  	[dreg:$0x1] =	wrdreg $0xFFFFFFFF  }
0xcf: {  	_ =	task.clear_ibuf [dreg:s22], $0x2FFFF;
	_ =	strace $0x9FFFFFFF  }
0xd0: {  	(tm) =	ssettm $0x7FFFFFFF  }
0xd1: {  	_ =	shalt  }
tec
execute0_lowered:
.L_overlay_start_1:
0x0: {  	(tag) =	ssettag $0x1  }
0x1: {  	s1 =	srdreg.scid;
	s0 =	stileid.u32  }
0x2: {  	s10 =	sand.u32 $0x1, s1;
	s30 =	sshll.u32 s0, $0x1  }
0x3: {  	s11 =	rddreg [dreg:$0x0];
	s12 =	sor.u32 s10, s30  }
0x4: {  	s2 =	simm.s32 $0x0;
	s1 =	rddreg [dreg:$0x1];
	s3 =	sshll.u32 s12, $0x5  }
0x5: {  	[smem:$0x7FF] =	sst s2;
	s3 =	sadd.s32 s3, s11  }
0x6: {  	_ =	strace $0x8000004A;
	s4 =	sadd.s32 $0x9000, s3;
	s3 =	simm.s32 $0x2  }
0x7: {  	[tilespmem:s2], [sflag:$0x2] =	stream.linear.gather [hbm4b:s4+s2], $0x100, $0x38;
	[tilespmem:$0x280] =	vst v63  }
0x8: {  	_ =	swait.ge [sflag:s3], $0x100  }
0x9: {  	s6 =	simm.s32 $0x80;
	s7 =	simm.s32 $0x100;
	[sflag:s3] =	ssyncset.done $0x0  }
0xa: {  	s8 =	simm.s32 $0x1;
	s5 =	sadd.s32 $0x8C00, s11;
	[sflag:s3] =	ssyncadd.s32 $0xFFFFFF00  }
0xb: {  	[tilespmem:s7], [sflag:$0x1] =	stream.indirect.gather [hbm4b:s5+s6], $0x1, s2, s6, $0xb8;
	[tilespmem:$0x280] =	vst v63  }
0xc: {  	_ =	swait.ge [sflag:s8], $0x80  }
0xd: {  	[sflag:s8] =	ssyncset.done $0x0  }
0xe: {  	s9 =	simm.s32 $0x180;
	[sflag:s8] =	ssyncadd.s32 $0xFFFFFF80  }
0xf: {  	[tilespmem:s9], [sflag:$0x1] =	stream.indirect.gather [hbm4b:s5+s6], $0x1, s6, s6, $0xb8;
	[tilespmem:$0x280] =	vst v63  }
0x10: {  	_ =	swait.ge [sflag:s8], $0x80  }
0x11: {  	[sflag:s8] =	ssyncset.done $0x0  }
0x12: {  	[sflag:s8] =	ssyncadd.s32 $0xFFFFFF80  }
0x13: {  	v0 =	vld [tilespmem:$0x100];
	_ =	sdelay $0x1  }
0x14: {  	v1 =	vld [tilespmem:$0x110];
	_ =	sdelay $0x1  }
0x15: {  	v2 =	vld [tilespmem:$0x120]  }
0x16: {  	v0 =	vadd.f32 $0.0e+00, v0  }
0x17: {  	v3 =	vld [tilespmem:$0x130]  }
0x18: {  	v0 =	vadd.f32 v1, v0  }
0x19: {  	v52 =	vld [tilespmem:$0x140]  }
0x1a: {  	v0 =	vadd.f32 v2, v0  }
0x1b: {  	v53 =	vld [tilespmem:$0x150]  }
0x1c: {  	v0 =	vadd.f32 v3, v0  }
0x1d: {  	v54 =	vld [tilespmem:$0x160]  }
0x1e: {  	v0 =	vadd.f32 v52, v0  }
0x1f: {  	v55 =	vld [tilespmem:$0x170]  }
0x20: {  	v0 =	vadd.f32 v53, v0  }
0x21: {  	v56 =	vld [tilespmem:$0x180]  }
0x22: {  	v0 =	vadd.f32 v54, v0  }
0x23: {  	v57 =	vld [tilespmem:$0x190]  }
0x24: {  	v0 =	vadd.f32 v55, v0  }
0x25: {  	v58 =	vld [tilespmem:$0x1A0]  }
0x26: {  	v0 =	vadd.f32 v56, v0  }
0x27: {  	v59 =	vld [tilespmem:$0x1B0]  }
0x28: {  	v0 =	vadd.f32 v57, v0  }
0x29: {  	v60 =	vld [tilespmem:$0x1C0]  }
0x2a: {  	v0 =	vadd.f32 v58, v0  }
0x2b: {  	v61 =	vld [tilespmem:$0x1D0]  }
0x2c: {  	v0 =	vadd.f32 v59, v0  }
0x2d: {  	v62 =	vld [tilespmem:$0x1E0]  }
0x2e: {  	v0 =	vadd.f32 v60, v0  }
0x2f: {  	v63 =	vld [tilespmem:$0x1F0]  }
0x30: {  	s10 =	ssub.s32 $0x2, s10;
	v0 =	vadd.f32 v61, v0  }
0x31: {  	s13 =	sshrl.u32 s10, $0x1  }
0x32: {  	s12 =	sshll.u32 s12, $0x4;
	s31 =	ssub.s32 s10, s13;
	v0 =	vadd.f32 v62, v0  }
0x33: {  	s11 =	sadd.s32 s12, s11;
	s12 =	smax.u32 s31, $0x1  }
0x34: {  	p0 =	sne.s32 s12, $0x1;
	v0 =	vadd.f32 v63, v0  }
.Ltmp0:
0x35: {  	_ = 	snop;
	(pc) =	sbr.rel @!p0 .LBB2_2-.Ltmp0, $4  }
0x36: {  	s10 =	sadd.s32 $0x9400, s11;
	s11 =	simm.s32 $0x200;
	[tilespmem:$0x200] =	vst v0  }
0x37: {  	[hbm4b:s10+s2] =	stream.linear.scatter [tilespmem:s11], [sflag:$0x2], $0x80, $0x38;
	[tilespmem:$0x280] =	vst v63  }
0x38: {  	_ =	swait.ge [sflag:s3], $0x80  }
0x39: {  	s12 =	sadd.s32 $0xFFFFFFFF, s12;
	[sflag:s3] =	ssyncset.done $0x0  }
.LBB2_1:
0x3a: {  	p0 =	sne.s32 s12, $0x1;
	s12 =	sadd.s32 $0xFFFFFFFF, s12;
	[sflag:s3] =	ssyncadd.s32 $0xFFFFFF80  }
0x3b: {  	[tilespmem:s2], [sflag:$0x2] =	stream.linear.gather [hbm4b:s4+s2], $0x100, $0x38;
	[tilespmem:$0x280] =	vst v63  }
0x3c: {  	_ =	swait.ge [sflag:s3], $0x100  }
0x3d: {  	[sflag:s3] =	ssyncset.done $0x0  }
0x3e: {  	[sflag:s3] =	ssyncadd.s32 $0xFFFFFF00  }
0x3f: {  	[tilespmem:s7], [sflag:$0x1] =	stream.indirect.gather [hbm4b:s5+s6], $0x1, s2, s6, $0xb8;
	[tilespmem:$0x280] =	vst v63  }
0x40: {  	_ =	swait.ge [sflag:s8], $0x80  }
0x41: {  	[sflag:s8] =	ssyncset.done $0x0  }
0x42: {  	[sflag:s8] =	ssyncadd.s32 $0xFFFFFF80  }
0x43: {  	[tilespmem:s9], [sflag:$0x1] =	stream.indirect.gather [hbm4b:s5+s6], $0x1, s6, s6, $0xb8;
	[tilespmem:$0x280] =	vst v63  }
0x44: {  	_ =	swait.ge [sflag:s8], $0x80  }
0x45: {  	[sflag:s8] =	ssyncset.done $0x0  }
0x46: {  	[sflag:s8] =	ssyncadd.s32 $0xFFFFFF80  }
0x47: {  	v0 =	vld [tilespmem:$0x100];
	_ =	sdelay $0x1  }
0x48: {  	v1 =	vld [tilespmem:$0x110];
	_ =	sdelay $0x1  }
0x49: {  	v2 =	vld [tilespmem:$0x120]  }
0x4a: {  	v0 =	vadd.f32 $0.0e+00, v0  }
0x4b: {  	v3 =	vld [tilespmem:$0x130]  }
0x4c: {  	v0 =	vadd.f32 v1, v0  }
0x4d: {  	v1 =	vld [tilespmem:$0x140]  }
0x4e: {  	v0 =	vadd.f32 v2, v0  }
0x4f: {  	v2 =	vld [tilespmem:$0x150]  }
0x50: {  	v0 =	vadd.f32 v3, v0  }
0x51: {  	v3 =	vld [tilespmem:$0x160]  }
0x52: {  	v0 =	vadd.f32 v1, v0  }
0x53: {  	v1 =	vld [tilespmem:$0x170]  }
0x54: {  	v0 =	vadd.f32 v2, v0  }
0x55: {  	v2 =	vld [tilespmem:$0x180]  }
0x56: {  	v0 =	vadd.f32 v3, v0  }
0x57: {  	v3 =	vld [tilespmem:$0x190]  }
0x58: {  	v0 =	vadd.f32 v1, v0  }
0x59: {  	v1 =	vld [tilespmem:$0x1A0]  }
0x5a: {  	v0 =	vadd.f32 v2, v0  }
0x5b: {  	v2 =	vld [tilespmem:$0x1B0]  }
0x5c: {  	v0 =	vadd.f32 v3, v0  }
0x5d: {  	v3 =	vld [tilespmem:$0x1C0]  }
0x5e: {  	v0 =	vadd.f32 v1, v0  }
0x5f: {  	v1 =	vld [tilespmem:$0x1D0]  }
0x60: {  	v0 =	vadd.f32 v2, v0  }
0x61: {  	v2 =	vld [tilespmem:$0x1E0]  }
0x62: {  	v0 =	vadd.f32 v3, v0  }
0x63: {  	v3 =	vld [tilespmem:$0x1F0]  }
0x64: {  	v0 =	vadd.f32 v1, v0;
	_ =	sdelay $0x1  }
0x65: {  	v0 =	vadd.f32 v2, v0;
	_ =	sdelay $0x1  }
0x66: {  	v0 =	vadd.f32 v3, v0  }
.Ltmp1:
0x67: {  	(pc) =	sbr.rel @p0 .LBB2_1-.Ltmp1, $4  }
0x68: {  	[tilespmem:$0x200] =	vst v0  }
0x69: {  	[hbm4b:s10+s2] =	stream.linear.scatter [tilespmem:s11], [sflag:$0x2], $0x80, $0x38;
	[tilespmem:$0x280] =	vst v63  }
0x6a: {  	_ =	swait.ge [sflag:s3], $0x80  }
0x6b: {  	[sflag:s3] =	ssyncset.done $0x0  }
.LBB2_2:
0x6c: {  	[sflag:s3] =	ssyncadd.s32 $0xFFFFFF80  }
0x6d: {  	_ =	sfence.sel $0x180000  }
0x6e: {  	[bflag:$0x0] =	sbarrier.arrive $0xFFFF  }
0x6f: {  	p0 =	sne.s32 s0, $0x0;
	_ =	strace $0x9000004A  }
0x70: {  	s0 =	sadd.s32 @!p0 $0x100000, s1;
	[bflag:$0x2] =	sbarrier.arrive $0xFFFF  }
0x71: {  	[sflag:s0] =	ssyncadd.tile.s32 @!p0 $0x1;
	_ =	shalt  }
.Lfunc_end2:
_tile_overlayer_lowered:
.L_overlay_start_2:
0x72: {  	(tag) =	ssettag $0x2  }
0x73: {  	s0 =	rddreg [dreg:$0x0];
	s2 =	stileid.u32  }
0x74: {  	s1 =	rddreg [dreg:$0x1];
	p0 =	sne.s32 s2, $0x0  }
0x75: {  	s3 =	rddreg [dreg:$0x2];
	[bflag:$0x3] =	sbarrier.arrive $0xFFFF;
	s2 =	simm.s32 @!p0 $0x1C02  }
0x76: {  	[timem:s3], [sflag:s2] =	dma.local @!p0 [hbm:s0], s1  }
0x77: {  	s0 =	simm.s32 @!p0 $0x2  }
0x78: {  	_ =	swait.ge @!p0 [sflag:s0], s1  }
0x79: {  	s1 =	ssub.s32 @!p0 $0x0, s1;
	[sflag:s0] =	ssyncset.done @!p0 $0x0  }
0x7a: {  	[sflag:s0] =	ssyncadd.s32 @!p0 s1  }
0x7b: {  	[bflag:$0x3] =	sbarrier.arrive $0xFFFF  }
0x7c: {  	_ =	shalt  }

</sc_bundles>
